<compile_context>
chip_gen: v7x
topology: tpu7x:2x2x1
jax: 0.10.2.dev20260603
libtpu: 0.0.44.dev20260713+nightly
codegen_flags: <defaults>
</compile_context>

<pallas_src>
import jax
import jax.numpy as jnp
from jax import lax
from jax.experimental import pallas as pl
from jax.experimental.pallas import tpu as pltpu
from jax.experimental.pallas import tpu_sc as plsc

N_NODES = 10000
D = 128
DH = D // 2
NC = 2
NS = 16
CHUNK = 128

E = 320000
TCH = 160
NCHUNKS = TCH * NS
E_PAD = NCHUNKS * CHUNK
HALF = TCH // 2
LCH = E // CHUNK
PADC = NCHUNKS - LCH
L15 = LCH - (NS - 1) * TCH - HALF

ZPT = 632
N_PAD = ZPT * NS
OPT = 624
OREM = N_NODES - OPT * NS


def _mm_body(x_ref, w_ref, b_ref, o_ref):
    o_ref[...] = (
        jnp.dot(x_ref[...], w_ref[0], preferred_element_type=jnp.float32)
        + b_ref[0]
    )


def _sc_body(hflat_hbm, eidx_hbm, pad_hbm, bias_hbm, out_hbm,
             srcv0, srcv1, dstv0, dstv1, rows_a, rows_b, biasv,
             idxs, hsh, acc, sem):
    cid = lax.axis_index("c")
    sid = lax.axis_index("s")

    pltpu.sync_copy(bias_hbm.at[cid], biasv)

    def _bias_row(r, carry):
        for j in range(DH // 16):
            rows_a[r, pl.ds(16 * j, 16)] = biasv[pl.ds(16 * j, 16)]
        return carry

    lax.fori_loop(0, CHUNK, _bias_row, 0)

    zbase = pl.multiple_of(sid * ZPT, 8)
    for k in range(ZPT // CHUNK):
        pltpu.sync_copy(rows_a.at[pl.ds(0, CHUNK)],
                        acc.at[pl.ds(zbase + k * CHUNK, CHUNK)])
    zrem = ZPT % CHUNK
    if zrem:
        pltpu.sync_copy(rows_a.at[pl.ds(0, zrem)],
                        acc.at[pl.ds(zbase + (ZPT // CHUNK) * CHUNK, zrem)])

    hbase = pl.multiple_of(sid * OPT, 8)
    cbase = pl.multiple_of(cid * N_NODES, 8)
    pltpu.sync_copy(hflat_hbm.at[pl.ds(cbase + hbase, OPT)], hsh.at[pl.ds(hbase, OPT)])

    @pl.when(sid == NS - 1)
    def _stage_tail():
        pltpu.sync_copy(hflat_hbm.at[pl.ds(cbase + OPT * NS, OREM)],
                        hsh.at[pl.ds(OPT * NS, OREM)])

    plsc.subcore_barrier()

    srcv = (srcv0, srcv1)
    dstv = (dstv0, dstv1)
    rows = (rows_a, rows_b)

    for half in range(2):
        eb = pl.multiple_of((sid * TCH + half * HALF) * CHUNK, 8)
        if half == 0:
            for rr in range(2):
                pltpu.sync_copy(eidx_hbm.at[rr].at[pl.ds(eb, HALF * CHUNK)],
                                idxs.at[rr].at[sid])
        else:
            @pl.when(sid < NS - 1)
            def _stage_live():
                for rr in range(2):
                    pltpu.sync_copy(eidx_hbm.at[rr].at[pl.ds(eb, HALF * CHUNK)],
                                    idxs.at[rr].at[sid])

            @pl.when(sid == NS - 1)
            def _stage_mixed():
                for rr in range(2):
                    pltpu.sync_copy(
                        eidx_hbm.at[rr].at[pl.ds(eb, L15 * CHUNK)],
                        idxs.at[rr].at[sid].at[pl.ds(0, L15 * CHUNK)])
                    pltpu.sync_copy(
                        pad_hbm.at[rr],
                        idxs.at[rr].at[sid].at[pl.ds(L15 * CHUNK, PADC * CHUNK)])

        pltpu.sync_copy(idxs.at[0].at[sid].at[pl.ds(0, CHUNK)], srcv0)
        pltpu.sync_copy(idxs.at[1].at[sid].at[pl.ds(0, CHUNK)], dstv0)
        pltpu.async_copy(hsh.at[srcv0], rows_a, sem)

        def _pair(jj, carry):
            for s in range(2):
                j = 2 * jj + s
                p, q = s, 1 - s
                pltpu.make_async_copy(hsh.at[srcv[p]], rows[p], sem).wait()
                if s == 0:
                    nxt = True
                else:
                    nxt = jj < HALF // 2 - 1

                def _prefetch():
                    nb = pl.multiple_of((j + 1) * CHUNK, 8)
                    pltpu.sync_copy(idxs.at[0].at[sid].at[pl.ds(nb, CHUNK)],
                                    srcv[q])
                    pltpu.sync_copy(idxs.at[1].at[sid].at[pl.ds(nb, CHUNK)],
                                    dstv[q])
                    pltpu.async_copy(hsh.at[srcv[q]], rows[q], sem)

                if nxt is True:
                    _prefetch()
                else:
                    pl.when(nxt)(_prefetch)
                pltpu.sync_copy(rows[p], acc.at[dstv[p]], add=True)
            return carry

        lax.fori_loop(0, HALF // 2, _pair, 0)

    plsc.subcore_barrier()

    obase = pl.multiple_of(sid * OPT, 8)
    cob = pl.multiple_of(cid * DH, 8)
    for k in range(OPT // CHUNK):
        pltpu.sync_copy(acc.at[pl.ds(obase + k * CHUNK, CHUNK)],
                        out_hbm.at[pl.ds(obase + k * CHUNK, CHUNK), pl.ds(cob, DH)])
    orem = OPT % CHUNK
    if orem:
        pltpu.sync_copy(acc.at[pl.ds(obase + (OPT // CHUNK) * CHUNK, orem)],
                        out_hbm.at[pl.ds(obase + (OPT // CHUNK) * CHUNK, orem),
                                   pl.ds(cob, DH)])

    @pl.when(sid == NS - 1)
    def _tail():
        pltpu.sync_copy(acc.at[pl.ds(OPT * NS, OREM)],
                        out_hbm.at[pl.ds(OPT * NS, OREM), pl.ds(cob, DH)])


def kernel(x, edge_index, W, b_dense, bias):
    eidx = edge_index.astype(jnp.int32)
    padi = jnp.concatenate(
        [jnp.zeros((1, PADC * CHUNK), jnp.int32),
         jnp.full((1, PADC * CHUNK), N_NODES, jnp.int32)], axis=0)

    b2 = b_dense.reshape(NC, 1, DH)
    W2 = jnp.stack([W[:, :DH], W[:, DH:]], axis=0)
    hflat = pl.pallas_call(
        _mm_body,
        grid=(10, NC),
        in_specs=[
            pl.BlockSpec((N_NODES // 10, D), lambda i, c: (i, 0)),
            pl.BlockSpec((1, D, DH), lambda i, c: (c, 0, 0)),
            pl.BlockSpec((1, 1, DH), lambda i, c: (c, 0, 0)),
        ],
        out_specs=pl.BlockSpec((N_NODES // 10, DH), lambda i, c: (c * 10 + i, 0)),
        out_shape=jax.ShapeDtypeStruct((NC * N_NODES, DH), jnp.float32),
    )(x, W2, b2)

    sc_fn = pl.kernel(
        _sc_body,
        out_type=jax.ShapeDtypeStruct((N_NODES, D), jnp.float32),
        mesh=plsc.VectorSubcoreMesh(core_axis_name="c", subcore_axis_name="s"),
        compiler_params=pltpu.CompilerParams(use_tc_tiling_on_sc=False),
        scratch_types=[
            pltpu.VMEM((CHUNK,), jnp.int32),
            pltpu.VMEM((CHUNK,), jnp.int32),
            pltpu.VMEM((CHUNK,), jnp.int32),
            pltpu.VMEM((CHUNK,), jnp.int32),
            pltpu.VMEM((CHUNK, DH), jnp.float32),
            pltpu.VMEM((CHUNK, DH), jnp.float32),
            pltpu.VMEM((DH,), jnp.float32),
            pltpu.VMEM_SHARED((2, NS, HALF * CHUNK), jnp.int32),
            pltpu.VMEM_SHARED((N_NODES, DH), jnp.float32),
            pltpu.VMEM_SHARED((N_PAD, DH), jnp.float32),
            pltpu.SemaphoreType.DMA,
        ],
    )
    bias2 = bias.reshape(NC, DH)
    return sc_fn(hflat, eidx, padi, bias2)

# --- scband reference (transcript-rebuilt; emitter-appended) ---
"""Pipeline reference for scband-graph-conv-25632364822910 (READ-ONLY COPY).

The authoritative reference and input builder live on the scoring server;
editing this copy changes nothing except your own understanding.
"""

import jax, jax.numpy as jnp
import numpy as np

N_NODES = 10000
N_EDGES = 320000
D_FEAT = 128
FILTERS = 128

def setup_inputs(seed: int = 0) -> dict:
    key = jax.random.key(seed)
    k1, k2, k3, k4 = jax.random.split(key, 4)
    x = jax.random.normal(k1, (N_NODES, D_FEAT), dtype=jnp.float32)
    edge_index = jax.random.randint(k2, (2, N_EDGES), 0, N_NODES, dtype=jnp.int64)
    # Dense embedding layer params (embedding_layer: Dense(filters))
    W = jax.random.normal(k3, (D_FEAT, FILTERS), dtype=jnp.float32) * (1.0 / np.sqrt(D_FEAT))
    b_dense = jnp.zeros((FILTERS,), dtype=jnp.float32)
    # BiasAdd layer bias on channel axis (channels_last -> axis=-1)
    bias = jnp.zeros((FILTERS,), dtype=jnp.float32)
    return {"x": x, "edge_index": edge_index, "W": W, "b_dense": b_dense, "bias": bias}

def reference(x, edge_index, W, b_dense, bias):
    # GraphConv forward (dropouts are identity at rate 0.0 / inference):
    # 1) node dropout (identity)
    # 2) embedding_layer: Dense -> x @ W + b_dense
    h = jnp.dot(x, W) + b_dense
    # 3) embedded node dropout (identity)
    # 4) aggregate over edges: sparse adjacency matmul == scatter-add of
    #    source-node embeddings into destination nodes (edge dropout identity)
    src = edge_index[0]
    dst = edge_index[1]
    msgs = jnp.take(h, src, axis=0)
    agg = jax.ops.segment_sum(msgs, dst, num_segments=N_NODES)
    # 5) bias_add on channel axis, activation=None
    out = agg + bias
    return out

if __name__ == "__main__":
    import jax
    _d = setup_inputs()
    print(jax.jit(kernel)(*tuple(_d.values())))

</pallas_src>

<mosaic_0001>
#map = affine_map<(d0, d1) -> (0, 0)>
module attributes {stable_mosaic.version = 14 : i64} {
  func.func @_sc_body(%arg0: i32, %arg1: i32, %arg2: memref<20000x64xf32, #tpu.memory_space<hbm>>, %arg3: memref<2x320000xi32, #tpu.memory_space<hbm>>, %arg4: memref<2x7680xi32, #tpu.memory_space<hbm>>, %arg5: memref<2x64xf32, #tpu.memory_space<hbm>>, %arg6: memref<10000x128xf32, #tpu.memory_space<hbm>>, %arg7: memref<128xi32, #tpu.memory_space<vmem>>, %arg8: memref<128xi32, #tpu.memory_space<vmem>>, %arg9: memref<128xi32, #tpu.memory_space<vmem>>, %arg10: memref<128xi32, #tpu.memory_space<vmem>>, %arg11: memref<128x64xf32, #tpu.memory_space<vmem>>, %arg12: memref<128x64xf32, #tpu.memory_space<vmem>>, %arg13: memref<64xf32, #tpu.memory_space<vmem>>, %arg14: memref<2x16x10240xi32, #tpu.memory_space<vmem_shared>>, %arg15: memref<10000x64xf32, #tpu.memory_space<vmem_shared>>, %arg16: memref<10112x64xf32, #tpu.memory_space<vmem_shared>>, %arg17: memref<!tpu.dma_semaphore, #tpu.memory_space<semaphore_mem>>) attributes {dimension_semantics = [#tpu.dimension_semantics<core_parallel>, #tpu.dimension_semantics<subcore_parallel>], iteration_bounds = array<i64: 2, 16>, scalar_prefetch = 0 : i64, scratch_operands = 11 : i64, tpu.core_type = #tpu.core_type<sc_vector_subcore>, window_params = [{transform_indices = #map}, {transform_indices = #map}, {transform_indices = #map}, {transform_indices = #map}, {transform_indices = #map}]} {
    "tpu.region"() ({
      %run_scoped3A_103 = tpu.sem_alloc : memref<!tpu.dma_semaphore, #tpu.memory_space<semaphore_mem>>
      %dma_start3A_104 = arith.constant 0 : i32
      %dma_start3A_105 = tpu.memref_slice %arg5[%arg0, %dma_start3A_104] : memref<2x64xf32, #tpu.memory_space<hbm>> -> memref<1x64xf32, #tpu.memory_space<hbm>>
      %dma_start3A_106 = tpu.memref_squeeze %dma_start3A_105 : memref<1x64xf32, #tpu.memory_space<hbm>> -> memref<64xf32, #tpu.memory_space<hbm>>
      %dma_start3A_107 = arith.constant 0 : i32
      %dma_start3A_108 = tpu.memref_slice %arg5[%arg0, %dma_start3A_107] : memref<2x64xf32, #tpu.memory_space<hbm>> -> memref<1x64xf32, #tpu.memory_space<hbm>>
      %dma_start3A_109 = tpu.memref_squeeze %dma_start3A_108 : memref<1x64xf32, #tpu.memory_space<hbm>> -> memref<64xf32, #tpu.memory_space<hbm>>
      tpu.enqueue_dma source(%dma_start3A_109 : memref<64xf32, #tpu.memory_space<hbm>>) target(%arg13 : memref<64xf32, #tpu.memory_space<vmem>>) target_semaphore(%run_scoped3A_103 : memref<!tpu.dma_semaphore, #tpu.memory_space<semaphore_mem>>)
      %dma_wait3A = arith.constant 0 : i32
      %dma_wait3A_110 = tpu.memref_slice %arg5[%arg0, %dma_wait3A] : memref<2x64xf32, #tpu.memory_space<hbm>> -> memref<1x64xf32, #tpu.memory_space<hbm>>
      %dma_wait3A_111 = tpu.memref_squeeze %dma_wait3A_110 : memref<1x64xf32, #tpu.memory_space<hbm>> -> memref<64xf32, #tpu.memory_space<hbm>>
      %dma_wait3A_112 = arith.constant 0 : i32
      %dma_wait3A_113 = tpu.memref_slice %arg5[%arg0, %dma_wait3A_112] : memref<2x64xf32, #tpu.memory_space<hbm>> -> memref<1x64xf32, #tpu.memory_space<hbm>>
      %dma_wait3A_114 = tpu.memref_squeeze %dma_wait3A_113 : memref<1x64xf32, #tpu.memory_space<hbm>> -> memref<64xf32, #tpu.memory_space<hbm>>
      tpu.wait_dma2 semaphore(%run_scoped3A_103 : memref<!tpu.dma_semaphore, #tpu.memory_space<semaphore_mem>>) src(%dma_wait3A_114 : memref<64xf32, #tpu.memory_space<hbm>>) dst(%arg13 : memref<64xf32, #tpu.memory_space<vmem>>)
      tpu.yield
    }) : () -> ()
    %scan3A = arith.constant 0 : i32
    %scan3A_0 = arith.constant 0 : i32
    %scan3A_1 = arith.constant 128 : i32
    %scan3A_2 = arith.addi %scan3A_0, %scan3A_1 : i32
    %scan3A_3 = arith.constant 1 : i32
    scf.for %scan3A_103 = %scan3A_0 to %scan3A_2 step %scan3A_3  : i32 {
      %get3A = arith.constant 0 : index
      %get3A_104 = tpu.vector_load %arg13[%get3A] {strides = array<i32>} : memref<64xf32, #tpu.memory_space<vmem>>, vector<16xf32>,
      %get3A_105 = vector.shape_cast %get3A_104 : vector<16xf32> to vector<16xf32>
      %swap3A = arith.index_cast %scan3A_103 : i32 to index
      %swap3A_106 = arith.constant 0 : index
      %swap3A_107 = tpu.vector_load %arg11[%swap3A, %swap3A_106] {strides = array<i32>} : memref<128x64xf32, #tpu.memory_space<vmem>>, vector<1x16xf32>,
      %swap3A_108 = vector.shape_cast %swap3A_107 : vector<1x16xf32> to vector<16xf32>
      %swap3A_109 = vector.shape_cast %get3A_105 : vector<16xf32> to vector<1x16xf32>
      tpu.vector_store %arg11[%swap3A, %swap3A_106], %swap3A_109 {strides = array<i32>} : memref<128x64xf32, #tpu.memory_space<vmem>>, vector<1x16xf32>,
      %get3A_110 = arith.constant 16 : index
      %get3A_111 = tpu.vector_load %arg13[%get3A_110] {strides = array<i32>} : memref<64xf32, #tpu.memory_space<vmem>>, vector<16xf32>,
      %get3A_112 = vector.shape_cast %get3A_111 : vector<16xf32> to vector<16xf32>
      %swap3A_113 = arith.index_cast %scan3A_103 : i32 to index
      %swap3A_114 = arith.constant 16 : index
      %swap3A_115 = tpu.vector_load %arg11[%swap3A_113, %swap3A_114] {strides = array<i32>} : memref<128x64xf32, #tpu.memory_space<vmem>>, vector<1x16xf32>,
      %swap3A_116 = vector.shape_cast %swap3A_115 : vector<1x16xf32> to vector<16xf32>
      %swap3A_117 = vector.shape_cast %get3A_112 : vector<16xf32> to vector<1x16xf32>
      tpu.vector_store %arg11[%swap3A_113, %swap3A_114], %swap3A_117 {strides = array<i32>} : memref<128x64xf32, #tpu.memory_space<vmem>>, vector<1x16xf32>,
      %get3A_118 = arith.constant 32 : index
      %get3A_119 = tpu.vector_load %arg13[%get3A_118] {strides = array<i32>} : memref<64xf32, #tpu.memory_space<vmem>>, vector<16xf32>,
      %get3A_120 = vector.shape_cast %get3A_119 : vector<16xf32> to vector<16xf32>
      %swap3A_121 = arith.index_cast %scan3A_103 : i32 to index
      %swap3A_122 = arith.constant 32 : index
      %swap3A_123 = tpu.vector_load %arg11[%swap3A_121, %swap3A_122] {strides = array<i32>} : memref<128x64xf32, #tpu.memory_space<vmem>>, vector<1x16xf32>,
      %swap3A_124 = vector.shape_cast %swap3A_123 : vector<1x16xf32> to vector<16xf32>
      %swap3A_125 = vector.shape_cast %get3A_120 : vector<16xf32> to vector<1x16xf32>
      tpu.vector_store %arg11[%swap3A_121, %swap3A_122], %swap3A_125 {strides = array<i32>} : memref<128x64xf32, #tpu.memory_space<vmem>>, vector<1x16xf32>,
      %get3A_126 = arith.constant 48 : index
      %get3A_127 = tpu.vector_load %arg13[%get3A_126] {strides = array<i32>} : memref<64xf32, #tpu.memory_space<vmem>>, vector<16xf32>,
      %get3A_128 = vector.shape_cast %get3A_127 : vector<16xf32> to vector<16xf32>
      %swap3A_129 = arith.index_cast %scan3A_103 : i32 to index
      %swap3A_130 = arith.constant 48 : index
      %swap3A_131 = tpu.vector_load %arg11[%swap3A_129, %swap3A_130] {strides = array<i32>} : memref<128x64xf32, #tpu.memory_space<vmem>>, vector<1x16xf32>,
      %swap3A_132 = vector.shape_cast %swap3A_131 : vector<1x16xf32> to vector<16xf32>
      %swap3A_133 = vector.shape_cast %get3A_128 : vector<16xf32> to vector<1x16xf32>
      tpu.vector_store %arg11[%swap3A_129, %swap3A_130], %swap3A_133 {strides = array<i32>} : memref<128x64xf32, #tpu.memory_space<vmem>>, vector<1x16xf32>,
    }
    %scan3A_4 = arith.constant 128 : i32
    %mul3A = arith.constant 632 : i32
    %mul3A_5 = arith.muli %arg1, %mul3A : i32
    %multiple_of3A = tpu.assume_multiple %mul3A_5, 8 : i32
    %add3A = arith.constant 0 : i32
    %add3A_6 = arith.addi %multiple_of3A, %add3A : i32
    "tpu.region"() ({
      %run_scoped3A_103 = tpu.sem_alloc : memref<!tpu.dma_semaphore, #tpu.memory_space<semaphore_mem>>
      %dma_start3A_104 = arith.constant 0 : i32
      %dma_start3A_105 = arith.constant 0 : i32
      %dma_start3A_106 = tpu.memref_slice %arg11[%dma_start3A_104, %dma_start3A_105] : memref<128x64xf32, #tpu.memory_space<vmem>> -> memref<128x64xf32, #tpu.memory_space<vmem>>
      %dma_start3A_107 = arith.constant 0 : i32
      %dma_start3A_108 = tpu.memref_slice %arg16[%add3A_6, %dma_start3A_107] : memref<10112x64xf32, #tpu.memory_space<vmem_shared>> -> memref<128x64xf32, #tpu.memory_space<vmem_shared>>
      %dma_start3A_109 = arith.constant 0 : i32
      %dma_start3A_110 = tpu.memref_slice %arg16[%add3A_6, %dma_start3A_109] : memref<10112x64xf32, #tpu.memory_space<vmem_shared>> -> memref<128x64xf32, #tpu.memory_space<vmem_shared>>
      %dma_start3A_111 = arith.constant 0 : i32
      %dma_start3A_112 = arith.constant 0 : i32
      %dma_start3A_113 = tpu.memref_slice %arg11[%dma_start3A_111, %dma_start3A_112] : memref<128x64xf32, #tpu.memory_space<vmem>> -> memref<128x64xf32, #tpu.memory_space<vmem>>
      tpu.enqueue_dma source(%dma_start3A_113 : memref<128x64xf32, #tpu.memory_space<vmem>>) target(%dma_start3A_110 : memref<128x64xf32, #tpu.memory_space<vmem_shared>>) target_semaphore(%run_scoped3A_103 : memref<!tpu.dma_semaphore, #tpu.memory_space<semaphore_mem>>)
      %dma_wait3A = arith.constant 0 : i32
      %dma_wait3A_114 = arith.constant 0 : i32
      %dma_wait3A_115 = tpu.memref_slice %arg11[%dma_wait3A, %dma_wait3A_114] : memref<128x64xf32, #tpu.memory_space<vmem>> -> memref<128x64xf32, #tpu.memory_space<vmem>>
      %dma_wait3A_116 = arith.constant 0 : i32
      %dma_wait3A_117 = tpu.memref_slice %arg16[%add3A_6, %dma_wait3A_116] : memref<10112x64xf32, #tpu.memory_space<vmem_shared>> -> memref<128x64xf32, #tpu.memory_space<vmem_shared>>
      %dma_wait3A_118 = arith.constant 0 : i32
      %dma_wait3A_119 = tpu.memref_slice %arg16[%add3A_6, %dma_wait3A_118] : memref<10112x64xf32, #tpu.memory_space<vmem_shared>> -> memref<128x64xf32, #tpu.memory_space<vmem_shared>>
      %dma_wait3A_120 = arith.constant 0 : i32
      %dma_wait3A_121 = arith.constant 0 : i32
      %dma_wait3A_122 = tpu.memref_slice %arg11[%dma_wait3A_120, %dma_wait3A_121] : memref<128x64xf32, #tpu.memory_space<vmem>> -> memref<128x64xf32, #tpu.memory_space<vmem>>
      tpu.wait_dma2 semaphore(%run_scoped3A_103 : memref<!tpu.dma_semaphore, #tpu.memory_space<semaphore_mem>>) src(%dma_wait3A_122 : memref<128x64xf32, #tpu.memory_space<vmem>>) dst(%dma_wait3A_119 : memref<128x64xf32, #tpu.memory_space<vmem_shared>>)
      tpu.yield
    }) : () -> ()
    %add3A_7 = arith.constant 128 : i32
    %add3A_8 = arith.addi %multiple_of3A, %add3A_7 : i32
    "tpu.region"() ({
      %run_scoped3A_103 = tpu.sem_alloc : memref<!tpu.dma_semaphore, #tpu.memory_space<semaphore_mem>>
      %dma_start3A_104 = arith.constant 0 : i32
      %dma_start3A_105 = arith.constant 0 : i32
      %dma_start3A_106 = tpu.memref_slice %arg11[%dma_start3A_104, %dma_start3A_105] : memref<128x64xf32, #tpu.memory_space<vmem>> -> memref<128x64xf32, #tpu.memory_space<vmem>>
      %dma_start3A_107 = arith.constant 0 : i32
      %dma_start3A_108 = tpu.memref_slice %arg16[%add3A_8, %dma_start3A_107] : memref<10112x64xf32, #tpu.memory_space<vmem_shared>> -> memref<128x64xf32, #tpu.memory_space<vmem_shared>>
      %dma_start3A_109 = arith.constant 0 : i32
      %dma_start3A_110 = tpu.memref_slice %arg16[%add3A_8, %dma_start3A_109] : memref<10112x64xf32, #tpu.memory_space<vmem_shared>> -> memref<128x64xf32, #tpu.memory_space<vmem_shared>>
      %dma_start3A_111 = arith.constant 0 : i32
      %dma_start3A_112 = arith.constant 0 : i32
      %dma_start3A_113 = tpu.memref_slice %arg11[%dma_start3A_111, %dma_start3A_112] : memref<128x64xf32, #tpu.memory_space<vmem>> -> memref<128x64xf32, #tpu.memory_space<vmem>>
      tpu.enqueue_dma source(%dma_start3A_113 : memref<128x64xf32, #tpu.memory_space<vmem>>) target(%dma_start3A_110 : memref<128x64xf32, #tpu.memory_space<vmem_shared>>) target_semaphore(%run_scoped3A_103 : memref<!tpu.dma_semaphore, #tpu.memory_space<semaphore_mem>>)
      %dma_wait3A = arith.constant 0 : i32
      %dma_wait3A_114 = arith.constant 0 : i32
      %dma_wait3A_115 = tpu.memref_slice %arg11[%dma_wait3A, %dma_wait3A_114] : memref<128x64xf32, #tpu.memory_space<vmem>> -> memref<128x64xf32, #tpu.memory_space<vmem>>
      %dma_wait3A_116 = arith.constant 0 : i32
      %dma_wait3A_117 = tpu.memref_slice %arg16[%add3A_8, %dma_wait3A_116] : memref<10112x64xf32, #tpu.memory_space<vmem_shared>> -> memref<128x64xf32, #tpu.memory_space<vmem_shared>>
      %dma_wait3A_118 = arith.constant 0 : i32
      %dma_wait3A_119 = tpu.memref_slice %arg16[%add3A_8, %dma_wait3A_118] : memref<10112x64xf32, #tpu.memory_space<vmem_shared>> -> memref<128x64xf32, #tpu.memory_space<vmem_shared>>
      %dma_wait3A_120 = arith.constant 0 : i32
      %dma_wait3A_121 = arith.constant 0 : i32
      %dma_wait3A_122 = tpu.memref_slice %arg11[%dma_wait3A_120, %dma_wait3A_121] : memref<128x64xf32, #tpu.memory_space<vmem>> -> memref<128x64xf32, #tpu.memory_space<vmem>>
      tpu.wait_dma2 semaphore(%run_scoped3A_103 : memref<!tpu.dma_semaphore, #tpu.memory_space<semaphore_mem>>) src(%dma_wait3A_122 : memref<128x64xf32, #tpu.memory_space<vmem>>) dst(%dma_wait3A_119 : memref<128x64xf32, #tpu.memory_space<vmem_shared>>)
      tpu.yield
    }) : () -> ()
    %add3A_9 = arith.constant 256 : i32
    %add3A_10 = arith.addi %multiple_of3A, %add3A_9 : i32
    "tpu.region"() ({
      %run_scoped3A_103 = tpu.sem_alloc : memref<!tpu.dma_semaphore, #tpu.memory_space<semaphore_mem>>
      %dma_start3A_104 = arith.constant 0 : i32
      %dma_start3A_105 = arith.constant 0 : i32
      %dma_start3A_106 = tpu.memref_slice %arg11[%dma_start3A_104, %dma_start3A_105] : memref<128x64xf32, #tpu.memory_space<vmem>> -> memref<128x64xf32, #tpu.memory_space<vmem>>
      %dma_start3A_107 = arith.constant 0 : i32
      %dma_start3A_108 = tpu.memref_slice %arg16[%add3A_10, %dma_start3A_107] : memref<10112x64xf32, #tpu.memory_space<vmem_shared>> -> memref<128x64xf32, #tpu.memory_space<vmem_shared>>
      %dma_start3A_109 = arith.constant 0 : i32
      %dma_start3A_110 = tpu.memref_slice %arg16[%add3A_10, %dma_start3A_109] : memref<10112x64xf32, #tpu.memory_space<vmem_shared>> -> memref<128x64xf32, #tpu.memory_space<vmem_shared>>
      %dma_start3A_111 = arith.constant 0 : i32
      %dma_start3A_112 = arith.constant 0 : i32
      %dma_start3A_113 = tpu.memref_slice %arg11[%dma_start3A_111, %dma_start3A_112] : memref<128x64xf32, #tpu.memory_space<vmem>> -> memref<128x64xf32, #tpu.memory_space<vmem>>
      tpu.enqueue_dma source(%dma_start3A_113 : memref<128x64xf32, #tpu.memory_space<vmem>>) target(%dma_start3A_110 : memref<128x64xf32, #tpu.memory_space<vmem_shared>>) target_semaphore(%run_scoped3A_103 : memref<!tpu.dma_semaphore, #tpu.memory_space<semaphore_mem>>)
      %dma_wait3A = arith.constant 0 : i32
      %dma_wait3A_114 = arith.constant 0 : i32
      %dma_wait3A_115 = tpu.memref_slice %arg11[%dma_wait3A, %dma_wait3A_114] : memref<128x64xf32, #tpu.memory_space<vmem>> -> memref<128x64xf32, #tpu.memory_space<vmem>>
      %dma_wait3A_116 = arith.constant 0 : i32
      %dma_wait3A_117 = tpu.memref_slice %arg16[%add3A_10, %dma_wait3A_116] : memref<10112x64xf32, #tpu.memory_space<vmem_shared>> -> memref<128x64xf32, #tpu.memory_space<vmem_shared>>
      %dma_wait3A_118 = arith.constant 0 : i32
      %dma_wait3A_119 = tpu.memref_slice %arg16[%add3A_10, %dma_wait3A_118] : memref<10112x64xf32, #tpu.memory_space<vmem_shared>> -> memref<128x64xf32, #tpu.memory_space<vmem_shared>>
      %dma_wait3A_120 = arith.constant 0 : i32
      %dma_wait3A_121 = arith.constant 0 : i32
      %dma_wait3A_122 = tpu.memref_slice %arg11[%dma_wait3A_120, %dma_wait3A_121] : memref<128x64xf32, #tpu.memory_space<vmem>> -> memref<128x64xf32, #tpu.memory_space<vmem>>
      tpu.wait_dma2 semaphore(%run_scoped3A_103 : memref<!tpu.dma_semaphore, #tpu.memory_space<semaphore_mem>>) src(%dma_wait3A_122 : memref<128x64xf32, #tpu.memory_space<vmem>>) dst(%dma_wait3A_119 : memref<128x64xf32, #tpu.memory_space<vmem_shared>>)
      tpu.yield
    }) : () -> ()
    %add3A_11 = arith.constant 384 : i32
    %add3A_12 = arith.addi %multiple_of3A, %add3A_11 : i32
    "tpu.region"() ({
      %run_scoped3A_103 = tpu.sem_alloc : memref<!tpu.dma_semaphore, #tpu.memory_space<semaphore_mem>>
      %dma_start3A_104 = arith.constant 0 : i32
      %dma_start3A_105 = arith.constant 0 : i32
      %dma_start3A_106 = tpu.memref_slice %arg11[%dma_start3A_104, %dma_start3A_105] : memref<128x64xf32, #tpu.memory_space<vmem>> -> memref<128x64xf32, #tpu.memory_space<vmem>>
      %dma_start3A_107 = arith.constant 0 : i32
      %dma_start3A_108 = tpu.memref_slice %arg16[%add3A_12, %dma_start3A_107] : memref<10112x64xf32, #tpu.memory_space<vmem_shared>> -> memref<128x64xf32, #tpu.memory_space<vmem_shared>>
      %dma_start3A_109 = arith.constant 0 : i32
      %dma_start3A_110 = tpu.memref_slice %arg16[%add3A_12, %dma_start3A_109] : memref<10112x64xf32, #tpu.memory_space<vmem_shared>> -> memref<128x64xf32, #tpu.memory_space<vmem_shared>>
      %dma_start3A_111 = arith.constant 0 : i32
      %dma_start3A_112 = arith.constant 0 : i32
      %dma_start3A_113 = tpu.memref_slice %arg11[%dma_start3A_111, %dma_start3A_112] : memref<128x64xf32, #tpu.memory_space<vmem>> -> memref<128x64xf32, #tpu.memory_space<vmem>>
      tpu.enqueue_dma source(%dma_start3A_113 : memref<128x64xf32, #tpu.memory_space<vmem>>) target(%dma_start3A_110 : memref<128x64xf32, #tpu.memory_space<vmem_shared>>) target_semaphore(%run_scoped3A_103 : memref<!tpu.dma_semaphore, #tpu.memory_space<semaphore_mem>>)
      %dma_wait3A = arith.constant 0 : i32
      %dma_wait3A_114 = arith.constant 0 : i32
      %dma_wait3A_115 = tpu.memref_slice %arg11[%dma_wait3A, %dma_wait3A_114] : memref<128x64xf32, #tpu.memory_space<vmem>> -> memref<128x64xf32, #tpu.memory_space<vmem>>
      %dma_wait3A_116 = arith.constant 0 : i32
      %dma_wait3A_117 = tpu.memref_slice %arg16[%add3A_12, %dma_wait3A_116] : memref<10112x64xf32, #tpu.memory_space<vmem_shared>> -> memref<128x64xf32, #tpu.memory_space<vmem_shared>>
      %dma_wait3A_118 = arith.constant 0 : i32
      %dma_wait3A_119 = tpu.memref_slice %arg16[%add3A_12, %dma_wait3A_118] : memref<10112x64xf32, #tpu.memory_space<vmem_shared>> -> memref<128x64xf32, #tpu.memory_space<vmem_shared>>
      %dma_wait3A_120 = arith.constant 0 : i32
      %dma_wait3A_121 = arith.constant 0 : i32
      %dma_wait3A_122 = tpu.memref_slice %arg11[%dma_wait3A_120, %dma_wait3A_121] : memref<128x64xf32, #tpu.memory_space<vmem>> -> memref<128x64xf32, #tpu.memory_space<vmem>>
      tpu.wait_dma2 semaphore(%run_scoped3A_103 : memref<!tpu.dma_semaphore, #tpu.memory_space<semaphore_mem>>) src(%dma_wait3A_122 : memref<128x64xf32, #tpu.memory_space<vmem>>) dst(%dma_wait3A_119 : memref<128x64xf32, #tpu.memory_space<vmem_shared>>)
      tpu.yield
    }) : () -> ()
    %add3A_13 = arith.constant 512 : i32
    %add3A_14 = arith.addi %multiple_of3A, %add3A_13 : i32
    "tpu.region"() ({
      %run_scoped3A_103 = tpu.sem_alloc : memref<!tpu.dma_semaphore, #tpu.memory_space<semaphore_mem>>
      %dma_start3A_104 = arith.constant 0 : i32
      %dma_start3A_105 = arith.constant 0 : i32
      %dma_start3A_106 = tpu.memref_slice %arg11[%dma_start3A_104, %dma_start3A_105] : memref<128x64xf32, #tpu.memory_space<vmem>> -> memref<120x64xf32, #tpu.memory_space<vmem>>
      %dma_start3A_107 = arith.constant 0 : i32
      %dma_start3A_108 = tpu.memref_slice %arg16[%add3A_14, %dma_start3A_107] : memref<10112x64xf32, #tpu.memory_space<vmem_shared>> -> memref<120x64xf32, #tpu.memory_space<vmem_shared>>
      %dma_start3A_109 = arith.constant 0 : i32
      %dma_start3A_110 = tpu.memref_slice %arg16[%add3A_14, %dma_start3A_109] : memref<10112x64xf32, #tpu.memory_space<vmem_shared>> -> memref<120x64xf32, #tpu.memory_space<vmem_shared>>
      %dma_start3A_111 = arith.constant 0 : i32
      %dma_start3A_112 = arith.constant 0 : i32
      %dma_start3A_113 = tpu.memref_slice %arg11[%dma_start3A_111, %dma_start3A_112] : memref<128x64xf32, #tpu.memory_space<vmem>> -> memref<120x64xf32, #tpu.memory_space<vmem>>
      tpu.enqueue_dma source(%dma_start3A_113 : memref<120x64xf32, #tpu.memory_space<vmem>>) target(%dma_start3A_110 : memref<120x64xf32, #tpu.memory_space<vmem_shared>>) target_semaphore(%run_scoped3A_103 : memref<!tpu.dma_semaphore, #tpu.memory_space<semaphore_mem>>)
      %dma_wait3A = arith.constant 0 : i32
      %dma_wait3A_114 = arith.constant 0 : i32
      %dma_wait3A_115 = tpu.memref_slice %arg11[%dma_wait3A, %dma_wait3A_114] : memref<128x64xf32, #tpu.memory_space<vmem>> -> memref<120x64xf32, #tpu.memory_space<vmem>>
      %dma_wait3A_116 = arith.constant 0 : i32
      %dma_wait3A_117 = tpu.memref_slice %arg16[%add3A_14, %dma_wait3A_116] : memref<10112x64xf32, #tpu.memory_space<vmem_shared>> -> memref<120x64xf32, #tpu.memory_space<vmem_shared>>
      %dma_wait3A_118 = arith.constant 0 : i32
      %dma_wait3A_119 = tpu.memref_slice %arg16[%add3A_14, %dma_wait3A_118] : memref<10112x64xf32, #tpu.memory_space<vmem_shared>> -> memref<120x64xf32, #tpu.memory_space<vmem_shared>>
      %dma_wait3A_120 = arith.constant 0 : i32
      %dma_wait3A_121 = arith.constant 0 : i32
      %dma_wait3A_122 = tpu.memref_slice %arg11[%dma_wait3A_120, %dma_wait3A_121] : memref<128x64xf32, #tpu.memory_space<vmem>> -> memref<120x64xf32, #tpu.memory_space<vmem>>
      tpu.wait_dma2 semaphore(%run_scoped3A_103 : memref<!tpu.dma_semaphore, #tpu.memory_space<semaphore_mem>>) src(%dma_wait3A_122 : memref<120x64xf32, #tpu.memory_space<vmem>>) dst(%dma_wait3A_119 : memref<120x64xf32, #tpu.memory_space<vmem_shared>>)
      tpu.yield
    }) : () -> ()
    %mul3A_15 = arith.constant 624 : i32
    %mul3A_16 = arith.muli %arg1, %mul3A_15 : i32
    %multiple_of3A_17 = tpu.assume_multiple %mul3A_16, 8 : i32
    %mul3A_18 = arith.constant 10000 : i32
    %mul3A_19 = arith.muli %arg0, %mul3A_18 : i32
    %multiple_of3A_20 = tpu.assume_multiple %mul3A_19, 8 : i32
    %add3A_21 = arith.addi %multiple_of3A_20, %multiple_of3A_17 : i32
    "tpu.region"() ({
      %run_scoped3A_103 = tpu.sem_alloc : memref<!tpu.dma_semaphore, #tpu.memory_space<semaphore_mem>>
      %dma_start3A_104 = arith.constant 0 : i32
      %dma_start3A_105 = tpu.memref_slice %arg15[%multiple_of3A_17, %dma_start3A_104] : memref<10000x64xf32, #tpu.memory_space<vmem_shared>> -> memref<624x64xf32, #tpu.memory_space<vmem_shared>>
      %dma_start3A_106 = arith.constant 0 : i32
      %dma_start3A_107 = tpu.memref_slice %arg2[%add3A_21, %dma_start3A_106] : memref<20000x64xf32, #tpu.memory_space<hbm>> -> memref<624x64xf32, #tpu.memory_space<hbm>>
      tpu.enqueue_dma source(%dma_start3A_107 : memref<624x64xf32, #tpu.memory_space<hbm>>) target(%dma_start3A_105 : memref<624x64xf32, #tpu.memory_space<vmem_shared>>) target_semaphore(%run_scoped3A_103 : memref<!tpu.dma_semaphore, #tpu.memory_space<semaphore_mem>>)
      %dma_wait3A = arith.constant 0 : i32
      %dma_wait3A_108 = tpu.memref_slice %arg15[%multiple_of3A_17, %dma_wait3A] : memref<10000x64xf32, #tpu.memory_space<vmem_shared>> -> memref<624x64xf32, #tpu.memory_space<vmem_shared>>
      %dma_wait3A_109 = arith.constant 0 : i32
      %dma_wait3A_110 = tpu.memref_slice %arg2[%add3A_21, %dma_wait3A_109] : memref<20000x64xf32, #tpu.memory_space<hbm>> -> memref<624x64xf32, #tpu.memory_space<hbm>>
      tpu.wait_dma2 semaphore(%run_scoped3A_103 : memref<!tpu.dma_semaphore, #tpu.memory_space<semaphore_mem>>) src(%dma_wait3A_110 : memref<624x64xf32, #tpu.memory_space<hbm>>) dst(%dma_wait3A_108 : memref<624x64xf32, #tpu.memory_space<vmem_shared>>)
      tpu.yield
    }) : () -> ()
    %eq3A = arith.constant 15 : i32
    %eq3A_22 = arith.cmpi eq, %arg1, %eq3A : i32
    %convert_element_type3A = arith.extui %eq3A_22 : i1 to i32
    %cond3A = arith.constant 0 : i32
    %cond3A_23 = arith.cmpi ne, %convert_element_type3A, %cond3A : i32
    scf.if %cond3A_23 {
      %add3A_103 = arith.constant 9984 : i32
      %add3A_104 = arith.addi %multiple_of3A_20, %add3A_103 : i32
      "tpu.region"() ({
        %run_scoped3A_105 = tpu.sem_alloc : memref<!tpu.dma_semaphore, #tpu.memory_space<semaphore_mem>>
        %dma_start3A_106 = arith.constant 9984 : i32
        %dma_start3A_107 = arith.constant 0 : i32
        %dma_start3A_108 = tpu.memref_slice %arg15[%dma_start3A_106, %dma_start3A_107] : memref<10000x64xf32, #tpu.memory_space<vmem_shared>> -> memref<16x64xf32, #tpu.memory_space<vmem_shared>>
        %dma_start3A_109 = arith.constant 0 : i32
        %dma_start3A_110 = tpu.memref_slice %arg2[%add3A_104, %dma_start3A_109] : memref<20000x64xf32, #tpu.memory_space<hbm>> -> memref<16x64xf32, #tpu.memory_space<hbm>>
        tpu.enqueue_dma source(%dma_start3A_110 : memref<16x64xf32, #tpu.memory_space<hbm>>) target(%dma_start3A_108 : memref<16x64xf32, #tpu.memory_space<vmem_shared>>) target_semaphore(%run_scoped3A_105 : memref<!tpu.dma_semaphore, #tpu.memory_space<semaphore_mem>>)
        %dma_wait3A = arith.constant 9984 : i32
        %dma_wait3A_111 = arith.constant 0 : i32
        %dma_wait3A_112 = tpu.memref_slice %arg15[%dma_wait3A, %dma_wait3A_111] : memref<10000x64xf32, #tpu.memory_space<vmem_shared>> -> memref<16x64xf32, #tpu.memory_space<vmem_shared>>
        %dma_wait3A_113 = arith.constant 0 : i32
        %dma_wait3A_114 = tpu.memref_slice %arg2[%add3A_104, %dma_wait3A_113] : memref<20000x64xf32, #tpu.memory_space<hbm>> -> memref<16x64xf32, #tpu.memory_space<hbm>>
        tpu.wait_dma2 semaphore(%run_scoped3A_105 : memref<!tpu.dma_semaphore, #tpu.memory_space<semaphore_mem>>) src(%dma_wait3A_114 : memref<16x64xf32, #tpu.memory_space<hbm>>) dst(%dma_wait3A_112 : memref<16x64xf32, #tpu.memory_space<vmem_shared>>)
        tpu.yield
      }) : () -> ()
    } else {
    }
    %barrier3A = arith.constant 0 : index
    tpu.barrier barrier_id(%barrier3A)
    %mul3A_24 = arith.constant 160 : i32
    %mul3A_25 = arith.muli %arg1, %mul3A_24 : i32
    %add3A_26 = arith.constant 0 : i32
    %add3A_27 = arith.addi %mul3A_25, %add3A_26 : i32
    %mul3A_28 = arith.constant 128 : i32
    %mul3A_29 = arith.muli %add3A_27, %mul3A_28 : i32
    %multiple_of3A_30 = tpu.assume_multiple %mul3A_29, 8 : i32
    %run_scoped3A = arith.constant 0 : i32
    %run_scoped3A_31 = arith.constant 0 : i32
    "tpu.region"() ({
      %run_scoped3A_103 = tpu.sem_alloc : memref<!tpu.dma_semaphore, #tpu.memory_space<semaphore_mem>>
      %dma_start3A_104 = arith.constant 0 : i32
      %dma_start3A_105 = arith.constant 0 : i32
      %dma_start3A_106 = tpu.memref_slice %arg14[%run_scoped3A_31, %dma_start3A_104, %dma_start3A_105] : memref<2x16x10240xi32, #tpu.memory_space<vmem_shared>> -> memref<1x16x10240xi32, #tpu.memory_space<vmem_shared>>
      %dma_start3A_107 = tpu.memref_squeeze %dma_start3A_106 : memref<1x16x10240xi32, #tpu.memory_space<vmem_shared>> -> memref<16x10240xi32, #tpu.memory_space<vmem_shared>>
      %dma_start3A_108 = arith.constant 0 : i32
      %dma_start3A_109 = tpu.memref_slice %dma_start3A_107[%arg1, %dma_start3A_108] : memref<16x10240xi32, #tpu.memory_space<vmem_shared>> -> memref<1x10240xi32, #tpu.memory_space<vmem_shared>>
      %dma_start3A_110 = tpu.memref_squeeze %dma_start3A_109 : memref<1x10240xi32, #tpu.memory_space<vmem_shared>> -> memref<10240xi32, #tpu.memory_space<vmem_shared>>
      %dma_start3A_111 = arith.constant 0 : i32
      %dma_start3A_112 = tpu.memref_slice %arg3[%run_scoped3A, %dma_start3A_111] : memref<2x320000xi32, #tpu.memory_space<hbm>> -> memref<1x320000xi32, #tpu.memory_space<hbm>>
      %dma_start3A_113 = tpu.memref_squeeze %dma_start3A_112 : memref<1x320000xi32, #tpu.memory_space<hbm>> -> memref<320000xi32, #tpu.memory_space<hbm>>
      %dma_start3A_114 = tpu.memref_slice %dma_start3A_113[%multiple_of3A_30] : memref<320000xi32, #tpu.memory_space<hbm>> -> memref<10240xi32, #tpu.memory_space<hbm>>
      tpu.enqueue_dma source(%dma_start3A_114 : memref<10240xi32, #tpu.memory_space<hbm>>) target(%dma_start3A_110 : memref<10240xi32, #tpu.memory_space<vmem_shared>>) target_semaphore(%run_scoped3A_103 : memref<!tpu.dma_semaphore, #tpu.memory_space<semaphore_mem>>)
      %dma_wait3A = arith.constant 0 : i32
      %dma_wait3A_115 = arith.constant 0 : i32
      %dma_wait3A_116 = tpu.memref_slice %arg14[%run_scoped3A_31, %dma_wait3A, %dma_wait3A_115] : memref<2x16x10240xi32, #tpu.memory_space<vmem_shared>> -> memref<1x16x10240xi32, #tpu.memory_space<vmem_shared>>
      %dma_wait3A_117 = tpu.memref_squeeze %dma_wait3A_116 : memref<1x16x10240xi32, #tpu.memory_space<vmem_shared>> -> memref<16x10240xi32, #tpu.memory_space<vmem_shared>>
      %dma_wait3A_118 = arith.constant 0 : i32
      %dma_wait3A_119 = tpu.memref_slice %dma_wait3A_117[%arg1, %dma_wait3A_118] : memref<16x10240xi32, #tpu.memory_space<vmem_shared>> -> memref<1x10240xi32, #tpu.memory_space<vmem_shared>>
      %dma_wait3A_120 = tpu.memref_squeeze %dma_wait3A_119 : memref<1x10240xi32, #tpu.memory_space<vmem_shared>> -> memref<10240xi32, #tpu.memory_space<vmem_shared>>
      %dma_wait3A_121 = arith.constant 0 : i32
      %dma_wait3A_122 = tpu.memref_slice %arg3[%run_scoped3A, %dma_wait3A_121] : memref<2x320000xi32, #tpu.memory_space<hbm>> -> memref<1x320000xi32, #tpu.memory_space<hbm>>
      %dma_wait3A_123 = tpu.memref_squeeze %dma_wait3A_122 : memref<1x320000xi32, #tpu.memory_space<hbm>> -> memref<320000xi32, #tpu.memory_space<hbm>>
      %dma_wait3A_124 = tpu.memref_slice %dma_wait3A_123[%multiple_of3A_30] : memref<320000xi32, #tpu.memory_space<hbm>> -> memref<10240xi32, #tpu.memory_space<hbm>>
      tpu.wait_dma2 semaphore(%run_scoped3A_103 : memref<!tpu.dma_semaphore, #tpu.memory_space<semaphore_mem>>) src(%dma_wait3A_124 : memref<10240xi32, #tpu.memory_space<hbm>>) dst(%dma_wait3A_120 : memref<10240xi32, #tpu.memory_space<vmem_shared>>)
      tpu.yield
    }) : () -> ()
    %run_scoped3A_32 = arith.constant 1 : i32
    %run_scoped3A_33 = arith.constant 1 : i32
    "tpu.region"() ({
      %run_scoped3A_103 = tpu.sem_alloc : memref<!tpu.dma_semaphore, #tpu.memory_space<semaphore_mem>>
      %dma_start3A_104 = arith.constant 0 : i32
      %dma_start3A_105 = arith.constant 0 : i32
      %dma_start3A_106 = tpu.memref_slice %arg14[%run_scoped3A_33, %dma_start3A_104, %dma_start3A_105] : memref<2x16x10240xi32, #tpu.memory_space<vmem_shared>> -> memref<1x16x10240xi32, #tpu.memory_space<vmem_shared>>
      %dma_start3A_107 = tpu.memref_squeeze %dma_start3A_106 : memref<1x16x10240xi32, #tpu.memory_space<vmem_shared>> -> memref<16x10240xi32, #tpu.memory_space<vmem_shared>>
      %dma_start3A_108 = arith.constant 0 : i32
      %dma_start3A_109 = tpu.memref_slice %dma_start3A_107[%arg1, %dma_start3A_108] : memref<16x10240xi32, #tpu.memory_space<vmem_shared>> -> memref<1x10240xi32, #tpu.memory_space<vmem_shared>>
      %dma_start3A_110 = tpu.memref_squeeze %dma_start3A_109 : memref<1x10240xi32, #tpu.memory_space<vmem_shared>> -> memref<10240xi32, #tpu.memory_space<vmem_shared>>
      %dma_start3A_111 = arith.constant 0 : i32
      %dma_start3A_112 = tpu.memref_slice %arg3[%run_scoped3A_32, %dma_start3A_111] : memref<2x320000xi32, #tpu.memory_space<hbm>> -> memref<1x320000xi32, #tpu.memory_space<hbm>>
      %dma_start3A_113 = tpu.memref_squeeze %dma_start3A_112 : memref<1x320000xi32, #tpu.memory_space<hbm>> -> memref<320000xi32, #tpu.memory_space<hbm>>
      %dma_start3A_114 = tpu.memref_slice %dma_start3A_113[%multiple_of3A_30] : memref<320000xi32, #tpu.memory_space<hbm>> -> memref<10240xi32, #tpu.memory_space<hbm>>
      tpu.enqueue_dma source(%dma_start3A_114 : memref<10240xi32, #tpu.memory_space<hbm>>) target(%dma_start3A_110 : memref<10240xi32, #tpu.memory_space<vmem_shared>>) target_semaphore(%run_scoped3A_103 : memref<!tpu.dma_semaphore, #tpu.memory_space<semaphore_mem>>)
      %dma_wait3A = arith.constant 0 : i32
      %dma_wait3A_115 = arith.constant 0 : i32
      %dma_wait3A_116 = tpu.memref_slice %arg14[%run_scoped3A_33, %dma_wait3A, %dma_wait3A_115] : memref<2x16x10240xi32, #tpu.memory_space<vmem_shared>> -> memref<1x16x10240xi32, #tpu.memory_space<vmem_shared>>
      %dma_wait3A_117 = tpu.memref_squeeze %dma_wait3A_116 : memref<1x16x10240xi32, #tpu.memory_space<vmem_shared>> -> memref<16x10240xi32, #tpu.memory_space<vmem_shared>>
      %dma_wait3A_118 = arith.constant 0 : i32
      %dma_wait3A_119 = tpu.memref_slice %dma_wait3A_117[%arg1, %dma_wait3A_118] : memref<16x10240xi32, #tpu.memory_space<vmem_shared>> -> memref<1x10240xi32, #tpu.memory_space<vmem_shared>>
      %dma_wait3A_120 = tpu.memref_squeeze %dma_wait3A_119 : memref<1x10240xi32, #tpu.memory_space<vmem_shared>> -> memref<10240xi32, #tpu.memory_space<vmem_shared>>
      %dma_wait3A_121 = arith.constant 0 : i32
      %dma_wait3A_122 = tpu.memref_slice %arg3[%run_scoped3A_32, %dma_wait3A_121] : memref<2x320000xi32, #tpu.memory_space<hbm>> -> memref<1x320000xi32, #tpu.memory_space<hbm>>
      %dma_wait3A_123 = tpu.memref_squeeze %dma_wait3A_122 : memref<1x320000xi32, #tpu.memory_space<hbm>> -> memref<320000xi32, #tpu.memory_space<hbm>>
      %dma_wait3A_124 = tpu.memref_slice %dma_wait3A_123[%multiple_of3A_30] : memref<320000xi32, #tpu.memory_space<hbm>> -> memref<10240xi32, #tpu.memory_space<hbm>>
      tpu.wait_dma2 semaphore(%run_scoped3A_103 : memref<!tpu.dma_semaphore, #tpu.memory_space<semaphore_mem>>) src(%dma_wait3A_124 : memref<10240xi32, #tpu.memory_space<hbm>>) dst(%dma_wait3A_120 : memref<10240xi32, #tpu.memory_space<vmem_shared>>)
      tpu.yield
    }) : () -> ()
    %run_scoped3A_34 = arith.constant 0 : i32
    "tpu.region"() ({
      %run_scoped3A_103 = tpu.sem_alloc : memref<!tpu.dma_semaphore, #tpu.memory_space<semaphore_mem>>
      %dma_start3A_104 = arith.constant 0 : i32
      %dma_start3A_105 = arith.constant 0 : i32
      %dma_start3A_106 = tpu.memref_slice %arg14[%run_scoped3A_34, %dma_start3A_104, %dma_start3A_105] : memref<2x16x10240xi32, #tpu.memory_space<vmem_shared>> -> memref<1x16x10240xi32, #tpu.memory_space<vmem_shared>>
      %dma_start3A_107 = tpu.memref_squeeze %dma_start3A_106 : memref<1x16x10240xi32, #tpu.memory_space<vmem_shared>> -> memref<16x10240xi32, #tpu.memory_space<vmem_shared>>
      %dma_start3A_108 = arith.constant 0 : i32
      %dma_start3A_109 = tpu.memref_slice %dma_start3A_107[%arg1, %dma_start3A_108] : memref<16x10240xi32, #tpu.memory_space<vmem_shared>> -> memref<1x10240xi32, #tpu.memory_space<vmem_shared>>
      %dma_start3A_110 = tpu.memref_squeeze %dma_start3A_109 : memref<1x10240xi32, #tpu.memory_space<vmem_shared>> -> memref<10240xi32, #tpu.memory_space<vmem_shared>>
      %dma_start3A_111 = arith.constant 0 : i32
      %dma_start3A_112 = tpu.memref_slice %dma_start3A_110[%dma_start3A_111] : memref<10240xi32, #tpu.memory_space<vmem_shared>> -> memref<128xi32, #tpu.memory_space<vmem_shared>>
      %dma_start3A_113 = arith.constant 0 : i32
      %dma_start3A_114 = arith.constant 0 : i32
      %dma_start3A_115 = tpu.memref_slice %arg14[%run_scoped3A_34, %dma_start3A_113, %dma_start3A_114] : memref<2x16x10240xi32, #tpu.memory_space<vmem_shared>> -> memref<1x16x10240xi32, #tpu.memory_space<vmem_shared>>
      %dma_start3A_116 = tpu.memref_squeeze %dma_start3A_115 : memref<1x16x10240xi32, #tpu.memory_space<vmem_shared>> -> memref<16x10240xi32, #tpu.memory_space<vmem_shared>>
      %dma_start3A_117 = arith.constant 0 : i32
      %dma_start3A_118 = tpu.memref_slice %dma_start3A_116[%arg1, %dma_start3A_117] : memref<16x10240xi32, #tpu.memory_space<vmem_shared>> -> memref<1x10240xi32, #tpu.memory_space<vmem_shared>>
      %dma_start3A_119 = tpu.memref_squeeze %dma_start3A_118 : memref<1x10240xi32, #tpu.memory_space<vmem_shared>> -> memref<10240xi32, #tpu.memory_space<vmem_shared>>
      %dma_start3A_120 = arith.constant 0 : i32
      %dma_start3A_121 = tpu.memref_slice %dma_start3A_119[%dma_start3A_120] : memref<10240xi32, #tpu.memory_space<vmem_shared>> -> memref<128xi32, #tpu.memory_space<vmem_shared>>
      tpu.enqueue_dma source(%dma_start3A_121 : memref<128xi32, #tpu.memory_space<vmem_shared>>) target(%arg7 : memref<128xi32, #tpu.memory_space<vmem>>) target_semaphore(%run_scoped3A_103 : memref<!tpu.dma_semaphore, #tpu.memory_space<semaphore_mem>>)
      %dma_wait3A = arith.constant 0 : i32
      %dma_wait3A_122 = arith.constant 0 : i32
      %dma_wait3A_123 = tpu.memref_slice %arg14[%run_scoped3A_34, %dma_wait3A, %dma_wait3A_122] : memref<2x16x10240xi32, #tpu.memory_space<vmem_shared>> -> memref<1x16x10240xi32, #tpu.memory_space<vmem_shared>>
      %dma_wait3A_124 = tpu.memref_squeeze %dma_wait3A_123 : memref<1x16x10240xi32, #tpu.memory_space<vmem_shared>> -> memref<16x10240xi32, #tpu.memory_space<vmem_shared>>
      %dma_wait3A_125 = arith.constant 0 : i32
      %dma_wait3A_126 = tpu.memref_slice %dma_wait3A_124[%arg1, %dma_wait3A_125] : memref<16x10240xi32, #tpu.memory_space<vmem_shared>> -> memref<1x10240xi32, #tpu.memory_space<vmem_shared>>
      %dma_wait3A_127 = tpu.memref_squeeze %dma_wait3A_126 : memref<1x10240xi32, #tpu.memory_space<vmem_shared>> -> memref<10240xi32, #tpu.memory_space<vmem_shared>>
      %dma_wait3A_128 = arith.constant 0 : i32
      %dma_wait3A_129 = tpu.memref_slice %dma_wait3A_127[%dma_wait3A_128] : memref<10240xi32, #tpu.memory_space<vmem_shared>> -> memref<128xi32, #tpu.memory_space<vmem_shared>>
      %dma_wait3A_130 = arith.constant 0 : i32
      %dma_wait3A_131 = arith.constant 0 : i32
      %dma_wait3A_132 = tpu.memref_slice %arg14[%run_scoped3A_34, %dma_wait3A_130, %dma_wait3A_131] : memref<2x16x10240xi32, #tpu.memory_space<vmem_shared>> -> memref<1x16x10240xi32, #tpu.memory_space<vmem_shared>>
      %dma_wait3A_133 = tpu.memref_squeeze %dma_wait3A_132 : memref<1x16x10240xi32, #tpu.memory_space<vmem_shared>> -> memref<16x10240xi32, #tpu.memory_space<vmem_shared>>
      %dma_wait3A_134 = arith.constant 0 : i32
      %dma_wait3A_135 = tpu.memref_slice %dma_wait3A_133[%arg1, %dma_wait3A_134] : memref<16x10240xi32, #tpu.memory_space<vmem_shared>> -> memref<1x10240xi32, #tpu.memory_space<vmem_shared>>
      %dma_wait3A_136 = tpu.memref_squeeze %dma_wait3A_135 : memref<1x10240xi32, #tpu.memory_space<vmem_shared>> -> memref<10240xi32, #tpu.memory_space<vmem_shared>>
      %dma_wait3A_137 = arith.constant 0 : i32
      %dma_wait3A_138 = tpu.memref_slice %dma_wait3A_136[%dma_wait3A_137] : memref<10240xi32, #tpu.memory_space<vmem_shared>> -> memref<128xi32, #tpu.memory_space<vmem_shared>>
      tpu.wait_dma2 semaphore(%run_scoped3A_103 : memref<!tpu.dma_semaphore, #tpu.memory_space<semaphore_mem>>) src(%dma_wait3A_138 : memref<128xi32, #tpu.memory_space<vmem_shared>>) dst(%arg7 : memref<128xi32, #tpu.memory_space<vmem>>)
      tpu.yield
    }) : () -> ()
    %run_scoped3A_35 = arith.constant 1 : i32
    "tpu.region"() ({
      %run_scoped3A_103 = tpu.sem_alloc : memref<!tpu.dma_semaphore, #tpu.memory_space<semaphore_mem>>
      %dma_start3A_104 = arith.constant 0 : i32
      %dma_start3A_105 = arith.constant 0 : i32
      %dma_start3A_106 = tpu.memref_slice %arg14[%run_scoped3A_35, %dma_start3A_104, %dma_start3A_105] : memref<2x16x10240xi32, #tpu.memory_space<vmem_shared>> -> memref<1x16x10240xi32, #tpu.memory_space<vmem_shared>>
      %dma_start3A_107 = tpu.memref_squeeze %dma_start3A_106 : memref<1x16x10240xi32, #tpu.memory_space<vmem_shared>> -> memref<16x10240xi32, #tpu.memory_space<vmem_shared>>
      %dma_start3A_108 = arith.constant 0 : i32
      %dma_start3A_109 = tpu.memref_slice %dma_start3A_107[%arg1, %dma_start3A_108] : memref<16x10240xi32, #tpu.memory_space<vmem_shared>> -> memref<1x10240xi32, #tpu.memory_space<vmem_shared>>
      %dma_start3A_110 = tpu.memref_squeeze %dma_start3A_109 : memref<1x10240xi32, #tpu.memory_space<vmem_shared>> -> memref<10240xi32, #tpu.memory_space<vmem_shared>>
      %dma_start3A_111 = arith.constant 0 : i32
      %dma_start3A_112 = tpu.memref_slice %dma_start3A_110[%dma_start3A_111] : memref<10240xi32, #tpu.memory_space<vmem_shared>> -> memref<128xi32, #tpu.memory_space<vmem_shared>>
      %dma_start3A_113 = arith.constant 0 : i32
      %dma_start3A_114 = arith.constant 0 : i32
      %dma_start3A_115 = tpu.memref_slice %arg14[%run_scoped3A_35, %dma_start3A_113, %dma_start3A_114] : memref<2x16x10240xi32, #tpu.memory_space<vmem_shared>> -> memref<1x16x10240xi32, #tpu.memory_space<vmem_shared>>
      %dma_start3A_116 = tpu.memref_squeeze %dma_start3A_115 : memref<1x16x10240xi32, #tpu.memory_space<vmem_shared>> -> memref<16x10240xi32, #tpu.memory_space<vmem_shared>>
      %dma_start3A_117 = arith.constant 0 : i32
      %dma_start3A_118 = tpu.memref_slice %dma_start3A_116[%arg1, %dma_start3A_117] : memref<16x10240xi32, #tpu.memory_space<vmem_shared>> -> memref<1x10240xi32, #tpu.memory_space<vmem_shared>>
      %dma_start3A_119 = tpu.memref_squeeze %dma_start3A_118 : memref<1x10240xi32, #tpu.memory_space<vmem_shared>> -> memref<10240xi32, #tpu.memory_space<vmem_shared>>
      %dma_start3A_120 = arith.constant 0 : i32
      %dma_start3A_121 = tpu.memref_slice %dma_start3A_119[%dma_start3A_120] : memref<10240xi32, #tpu.memory_space<vmem_shared>> -> memref<128xi32, #tpu.memory_space<vmem_shared>>
      tpu.enqueue_dma source(%dma_start3A_121 : memref<128xi32, #tpu.memory_space<vmem_shared>>) target(%arg9 : memref<128xi32, #tpu.memory_space<vmem>>) target_semaphore(%run_scoped3A_103 : memref<!tpu.dma_semaphore, #tpu.memory_space<semaphore_mem>>)
      %dma_wait3A = arith.constant 0 : i32
      %dma_wait3A_122 = arith.constant 0 : i32
      %dma_wait3A_123 = tpu.memref_slice %arg14[%run_scoped3A_35, %dma_wait3A, %dma_wait3A_122] : memref<2x16x10240xi32, #tpu.memory_space<vmem_shared>> -> memref<1x16x10240xi32, #tpu.memory_space<vmem_shared>>
      %dma_wait3A_124 = tpu.memref_squeeze %dma_wait3A_123 : memref<1x16x10240xi32, #tpu.memory_space<vmem_shared>> -> memref<16x10240xi32, #tpu.memory_space<vmem_shared>>
      %dma_wait3A_125 = arith.constant 0 : i32
      %dma_wait3A_126 = tpu.memref_slice %dma_wait3A_124[%arg1, %dma_wait3A_125] : memref<16x10240xi32, #tpu.memory_space<vmem_shared>> -> memref<1x10240xi32, #tpu.memory_space<vmem_shared>>
      %dma_wait3A_127 = tpu.memref_squeeze %dma_wait3A_126 : memref<1x10240xi32, #tpu.memory_space<vmem_shared>> -> memref<10240xi32, #tpu.memory_space<vmem_shared>>
      %dma_wait3A_128 = arith.constant 0 : i32
      %dma_wait3A_129 = tpu.memref_slice %dma_wait3A_127[%dma_wait3A_128] : memref<10240xi32, #tpu.memory_space<vmem_shared>> -> memref<128xi32, #tpu.memory_space<vmem_shared>>
      %dma_wait3A_130 = arith.constant 0 : i32
      %dma_wait3A_131 = arith.constant 0 : i32
      %dma_wait3A_132 = tpu.memref_slice %arg14[%run_scoped3A_35, %dma_wait3A_130, %dma_wait3A_131] : memref<2x16x10240xi32, #tpu.memory_space<vmem_shared>> -> memref<1x16x10240xi32, #tpu.memory_space<vmem_shared>>
      %dma_wait3A_133 = tpu.memref_squeeze %dma_wait3A_132 : memref<1x16x10240xi32, #tpu.memory_space<vmem_shared>> -> memref<16x10240xi32, #tpu.memory_space<vmem_shared>>
      %dma_wait3A_134 = arith.constant 0 : i32
      %dma_wait3A_135 = tpu.memref_slice %dma_wait3A_133[%arg1, %dma_wait3A_134] : memref<16x10240xi32, #tpu.memory_space<vmem_shared>> -> memref<1x10240xi32, #tpu.memory_space<vmem_shared>>
      %dma_wait3A_136 = tpu.memref_squeeze %dma_wait3A_135 : memref<1x10240xi32, #tpu.memory_space<vmem_shared>> -> memref<10240xi32, #tpu.memory_space<vmem_shared>>
      %dma_wait3A_137 = arith.constant 0 : i32
      %dma_wait3A_138 = tpu.memref_slice %dma_wait3A_136[%dma_wait3A_137] : memref<10240xi32, #tpu.memory_space<vmem_shared>> -> memref<128xi32, #tpu.memory_space<vmem_shared>>
      tpu.wait_dma2 semaphore(%run_scoped3A_103 : memref<!tpu.dma_semaphore, #tpu.memory_space<semaphore_mem>>) src(%dma_wait3A_138 : memref<128xi32, #tpu.memory_space<vmem_shared>>) dst(%arg9 : memref<128xi32, #tpu.memory_space<vmem>>)
      tpu.yield
    }) : () -> ()
    %dma_start3A = arith.constant 0 : i32
    %dma_start3A_36 = arith.constant 0 : i32
    %dma_start3A_37 = tpu.memref_slice %arg15[%dma_start3A, %dma_start3A_36] : memref<10000x64xf32, #tpu.memory_space<vmem_shared>> -> memref<10000x64xf32, #tpu.memory_space<vmem_shared>>
    tpu.enqueue_indirect_dma source(%dma_start3A_37 : memref<10000x64xf32, #tpu.memory_space<vmem_shared>>) target(%arg11 : memref<128x64xf32, #tpu.memory_space<vmem>>) offsets(%arg7 : memref<128xi32, #tpu.memory_space<vmem>>) semaphore(%arg17 : memref<!tpu.dma_semaphore, #tpu.memory_space<semaphore_mem>>)
    %scan3A_38 = arith.constant 0 : i32
    %scan3A_39 = arith.constant 0 : i32
    %scan3A_40 = arith.constant 40 : i32
    %scan3A_41 = arith.addi %scan3A_39, %scan3A_40 : i32
    %scan3A_42 = arith.constant 1 : i32
    scf.for %scan3A_103 = %scan3A_39 to %scan3A_41 step %scan3A_42  : i32 {
      %mul3A_104 = arith.constant 2 : i32
      %mul3A_105 = arith.muli %mul3A_104, %scan3A_103 : i32
      %add3A_106 = arith.constant 0 : i32
      %add3A_107 = arith.addi %mul3A_105, %add3A_106 : i32
      %dma_wait3A = arith.constant 0 : i32
      %dma_wait3A_108 = arith.constant 0 : i32
      %dma_wait3A_109 = tpu.memref_slice %arg15[%dma_wait3A, %dma_wait3A_108] : memref<10000x64xf32, #tpu.memory_space<vmem_shared>> -> memref<10000x64xf32, #tpu.memory_space<vmem_shared>>
      tpu.wait_indirect_dma semaphore(%arg17 : memref<!tpu.dma_semaphore, #tpu.memory_space<semaphore_mem>>) src(%dma_wait3A_109 : memref<10000x64xf32, #tpu.memory_space<vmem_shared>>) dst(%arg11 : memref<128x64xf32, #tpu.memory_space<vmem>>)
      %add3A_110 = arith.constant 1 : i32
      %add3A_111 = arith.addi %add3A_107, %add3A_110 : i32
      %mul3A_112 = arith.constant 128 : i32
      %mul3A_113 = arith.muli %add3A_111, %mul3A_112 : i32
      %multiple_of3A_114 = tpu.assume_multiple %mul3A_113, 8 : i32
      %run_scoped3A_115 = arith.constant 0 : i32
      "tpu.region"() ({
        %run_scoped3A_132 = tpu.sem_alloc : memref<!tpu.dma_semaphore, #tpu.memory_space<semaphore_mem>>
        %dma_start3A_133 = arith.constant 0 : i32
        %dma_start3A_134 = arith.constant 0 : i32
        %dma_start3A_135 = tpu.memref_slice %arg14[%run_scoped3A_115, %dma_start3A_133, %dma_start3A_134] : memref<2x16x10240xi32, #tpu.memory_space<vmem_shared>> -> memref<1x16x10240xi32, #tpu.memory_space<vmem_shared>>
        %dma_start3A_136 = tpu.memref_squeeze %dma_start3A_135 : memref<1x16x10240xi32, #tpu.memory_space<vmem_shared>> -> memref<16x10240xi32, #tpu.memory_space<vmem_shared>>
        %dma_start3A_137 = arith.constant 0 : i32
        %dma_start3A_138 = tpu.memref_slice %dma_start3A_136[%arg1, %dma_start3A_137] : memref<16x10240xi32, #tpu.memory_space<vmem_shared>> -> memref<1x10240xi32, #tpu.memory_space<vmem_shared>>
        %dma_start3A_139 = tpu.memref_squeeze %dma_start3A_138 : memref<1x10240xi32, #tpu.memory_space<vmem_shared>> -> memref<10240xi32, #tpu.memory_space<vmem_shared>>
        %dma_start3A_140 = tpu.memref_slice %dma_start3A_139[%multiple_of3A_114] : memref<10240xi32, #tpu.memory_space<vmem_shared>> -> memref<128xi32, #tpu.memory_space<vmem_shared>>
        %dma_start3A_141 = arith.constant 0 : i32
        %dma_start3A_142 = arith.constant 0 : i32
        %dma_start3A_143 = tpu.memref_slice %arg14[%run_scoped3A_115, %dma_start3A_141, %dma_start3A_142] : memref<2x16x10240xi32, #tpu.memory_space<vmem_shared>> -> memref<1x16x10240xi32, #tpu.memory_space<vmem_shared>>
        %dma_start3A_144 = tpu.memref_squeeze %dma_start3A_143 : memref<1x16x10240xi32, #tpu.memory_space<vmem_shared>> -> memref<16x10240xi32, #tpu.memory_space<vmem_shared>>
        %dma_start3A_145 = arith.constant 0 : i32
        %dma_start3A_146 = tpu.memref_slice %dma_start3A_144[%arg1, %dma_start3A_145] : memref<16x10240xi32, #tpu.memory_space<vmem_shared>> -> memref<1x10240xi32, #tpu.memory_space<vmem_shared>>
        %dma_start3A_147 = tpu.memref_squeeze %dma_start3A_146 : memref<1x10240xi32, #tpu.memory_space<vmem_shared>> -> memref<10240xi32, #tpu.memory_space<vmem_shared>>
        %dma_start3A_148 = tpu.memref_slice %dma_start3A_147[%multiple_of3A_114] : memref<10240xi32, #tpu.memory_space<vmem_shared>> -> memref<128xi32, #tpu.memory_space<vmem_shared>>
        tpu.enqueue_dma source(%dma_start3A_148 : memref<128xi32, #tpu.memory_space<vmem_shared>>) target(%arg8 : memref<128xi32, #tpu.memory_space<vmem>>) target_semaphore(%run_scoped3A_132 : memref<!tpu.dma_semaphore, #tpu.memory_space<semaphore_mem>>)
        %dma_wait3A_149 = arith.constant 0 : i32
        %dma_wait3A_150 = arith.constant 0 : i32
        %dma_wait3A_151 = tpu.memref_slice %arg14[%run_scoped3A_115, %dma_wait3A_149, %dma_wait3A_150] : memref<2x16x10240xi32, #tpu.memory_space<vmem_shared>> -> memref<1x16x10240xi32, #tpu.memory_space<vmem_shared>>
        %dma_wait3A_152 = tpu.memref_squeeze %dma_wait3A_151 : memref<1x16x10240xi32, #tpu.memory_space<vmem_shared>> -> memref<16x10240xi32, #tpu.memory_space<vmem_shared>>
        %dma_wait3A_153 = arith.constant 0 : i32
        %dma_wait3A_154 = tpu.memref_slice %dma_wait3A_152[%arg1, %dma_wait3A_153] : memref<16x10240xi32, #tpu.memory_space<vmem_shared>> -> memref<1x10240xi32, #tpu.memory_space<vmem_shared>>
        %dma_wait3A_155 = tpu.memref_squeeze %dma_wait3A_154 : memref<1x10240xi32, #tpu.memory_space<vmem_shared>> -> memref<10240xi32, #tpu.memory_space<vmem_shared>>
        %dma_wait3A_156 = tpu.memref_slice %dma_wait3A_155[%multiple_of3A_114] : memref<10240xi32, #tpu.memory_space<vmem_shared>> -> memref<128xi32, #tpu.memory_space<vmem_shared>>
        %dma_wait3A_157 = arith.constant 0 : i32
        %dma_wait3A_158 = arith.constant 0 : i32
        %dma_wait3A_159 = tpu.memref_slice %arg14[%run_scoped3A_115, %dma_wait3A_157, %dma_wait3A_158] : memref<2x16x10240xi32, #tpu.memory_space<vmem_shared>> -> memref<1x16x10240xi32, #tpu.memory_space<vmem_shared>>
        %dma_wait3A_160 = tpu.memref_squeeze %dma_wait3A_159 : memref<1x16x10240xi32, #tpu.memory_space<vmem_shared>> -> memref<16x10240xi32, #tpu.memory_space<vmem_shared>>
        %dma_wait3A_161 = arith.constant 0 : i32
        %dma_wait3A_162 = tpu.memref_slice %dma_wait3A_160[%arg1, %dma_wait3A_161] : memref<16x10240xi32, #tpu.memory_space<vmem_shared>> -> memref<1x10240xi32, #tpu.memory_space<vmem_shared>>
        %dma_wait3A_163 = tpu.memref_squeeze %dma_wait3A_162 : memref<1x10240xi32, #tpu.memory_space<vmem_shared>> -> memref<10240xi32, #tpu.memory_space<vmem_shared>>
        %dma_wait3A_164 = tpu.memref_slice %dma_wait3A_163[%multiple_of3A_114] : memref<10240xi32, #tpu.memory_space<vmem_shared>> -> memref<128xi32, #tpu.memory_space<vmem_shared>>
        tpu.wait_dma2 semaphore(%run_scoped3A_132 : memref<!tpu.dma_semaphore, #tpu.memory_space<semaphore_mem>>) src(%dma_wait3A_164 : memref<128xi32, #tpu.memory_space<vmem_shared>>) dst(%arg8 : memref<128xi32, #tpu.memory_space<vmem>>)
        tpu.yield
      }) : () -> ()
      %run_scoped3A_116 = arith.constant 1 : i32
      "tpu.region"() ({
        %run_scoped3A_132 = tpu.sem_alloc : memref<!tpu.dma_semaphore, #tpu.memory_space<semaphore_mem>>
        %dma_start3A_133 = arith.constant 0 : i32
        %dma_start3A_134 = arith.constant 0 : i32
        %dma_start3A_135 = tpu.memref_slice %arg14[%run_scoped3A_116, %dma_start3A_133, %dma_start3A_134] : memref<2x16x10240xi32, #tpu.memory_space<vmem_shared>> -> memref<1x16x10240xi32, #tpu.memory_space<vmem_shared>>
        %dma_start3A_136 = tpu.memref_squeeze %dma_start3A_135 : memref<1x16x10240xi32, #tpu.memory_space<vmem_shared>> -> memref<16x10240xi32, #tpu.memory_space<vmem_shared>>
        %dma_start3A_137 = arith.constant 0 : i32
        %dma_start3A_138 = tpu.memref_slice %dma_start3A_136[%arg1, %dma_start3A_137] : memref<16x10240xi32, #tpu.memory_space<vmem_shared>> -> memref<1x10240xi32, #tpu.memory_space<vmem_shared>>
        %dma_start3A_139 = tpu.memref_squeeze %dma_start3A_138 : memref<1x10240xi32, #tpu.memory_space<vmem_shared>> -> memref<10240xi32, #tpu.memory_space<vmem_shared>>
        %dma_start3A_140 = tpu.memref_slice %dma_start3A_139[%multiple_of3A_114] : memref<10240xi32, #tpu.memory_space<vmem_shared>> -> memref<128xi32, #tpu.memory_space<vmem_shared>>
        %dma_start3A_141 = arith.constant 0 : i32
        %dma_start3A_142 = arith.constant 0 : i32
        %dma_start3A_143 = tpu.memref_slice %arg14[%run_scoped3A_116, %dma_start3A_141, %dma_start3A_142] : memref<2x16x10240xi32, #tpu.memory_space<vmem_shared>> -> memref<1x16x10240xi32, #tpu.memory_space<vmem_shared>>
        %dma_start3A_144 = tpu.memref_squeeze %dma_start3A_143 : memref<1x16x10240xi32, #tpu.memory_space<vmem_shared>> -> memref<16x10240xi32, #tpu.memory_space<vmem_shared>>
        %dma_start3A_145 = arith.constant 0 : i32
        %dma_start3A_146 = tpu.memref_slice %dma_start3A_144[%arg1, %dma_start3A_145] : memref<16x10240xi32, #tpu.memory_space<vmem_shared>> -> memref<1x10240xi32, #tpu.memory_space<vmem_shared>>
        %dma_start3A_147 = tpu.memref_squeeze %dma_start3A_146 : memref<1x10240xi32, #tpu.memory_space<vmem_shared>> -> memref<10240xi32, #tpu.memory_space<vmem_shared>>
        %dma_start3A_148 = tpu.memref_slice %dma_start3A_147[%multiple_of3A_114] : memref<10240xi32, #tpu.memory_space<vmem_shared>> -> memref<128xi32, #tpu.memory_space<vmem_shared>>
        tpu.enqueue_dma source(%dma_start3A_148 : memref<128xi32, #tpu.memory_space<vmem_shared>>) target(%arg10 : memref<128xi32, #tpu.memory_space<vmem>>) target_semaphore(%run_scoped3A_132 : memref<!tpu.dma_semaphore, #tpu.memory_space<semaphore_mem>>)
        %dma_wait3A_149 = arith.constant 0 : i32
        %dma_wait3A_150 = arith.constant 0 : i32
        %dma_wait3A_151 = tpu.memref_slice %arg14[%run_scoped3A_116, %dma_wait3A_149, %dma_wait3A_150] : memref<2x16x10240xi32, #tpu.memory_space<vmem_shared>> -> memref<1x16x10240xi32, #tpu.memory_space<vmem_shared>>
        %dma_wait3A_152 = tpu.memref_squeeze %dma_wait3A_151 : memref<1x16x10240xi32, #tpu.memory_space<vmem_shared>> -> memref<16x10240xi32, #tpu.memory_space<vmem_shared>>
        %dma_wait3A_153 = arith.constant 0 : i32
        %dma_wait3A_154 = tpu.memref_slice %dma_wait3A_152[%arg1, %dma_wait3A_153] : memref<16x10240xi32, #tpu.memory_space<vmem_shared>> -> memref<1x10240xi32, #tpu.memory_space<vmem_shared>>
        %dma_wait3A_155 = tpu.memref_squeeze %dma_wait3A_154 : memref<1x10240xi32, #tpu.memory_space<vmem_shared>> -> memref<10240xi32, #tpu.memory_space<vmem_shared>>
        %dma_wait3A_156 = tpu.memref_slice %dma_wait3A_155[%multiple_of3A_114] : memref<10240xi32, #tpu.memory_space<vmem_shared>> -> memref<128xi32, #tpu.memory_space<vmem_shared>>
        %dma_wait3A_157 = arith.constant 0 : i32
        %dma_wait3A_158 = arith.constant 0 : i32
        %dma_wait3A_159 = tpu.memref_slice %arg14[%run_scoped3A_116, %dma_wait3A_157, %dma_wait3A_158] : memref<2x16x10240xi32, #tpu.memory_space<vmem_shared>> -> memref<1x16x10240xi32, #tpu.memory_space<vmem_shared>>
        %dma_wait3A_160 = tpu.memref_squeeze %dma_wait3A_159 : memref<1x16x10240xi32, #tpu.memory_space<vmem_shared>> -> memref<16x10240xi32, #tpu.memory_space<vmem_shared>>
        %dma_wait3A_161 = arith.constant 0 : i32
        %dma_wait3A_162 = tpu.memref_slice %dma_wait3A_160[%arg1, %dma_wait3A_161] : memref<16x10240xi32, #tpu.memory_space<vmem_shared>> -> memref<1x10240xi32, #tpu.memory_space<vmem_shared>>
        %dma_wait3A_163 = tpu.memref_squeeze %dma_wait3A_162 : memref<1x10240xi32, #tpu.memory_space<vmem_shared>> -> memref<10240xi32, #tpu.memory_space<vmem_shared>>
        %dma_wait3A_164 = tpu.memref_slice %dma_wait3A_163[%multiple_of3A_114] : memref<10240xi32, #tpu.memory_space<vmem_shared>> -> memref<128xi32, #tpu.memory_space<vmem_shared>>
        tpu.wait_dma2 semaphore(%run_scoped3A_132 : memref<!tpu.dma_semaphore, #tpu.memory_space<semaphore_mem>>) src(%dma_wait3A_164 : memref<128xi32, #tpu.memory_space<vmem_shared>>) dst(%arg10 : memref<128xi32, #tpu.memory_space<vmem>>)
        tpu.yield
      }) : () -> ()
      %dma_start3A_117 = arith.constant 0 : i32
      %dma_start3A_118 = arith.constant 0 : i32
      %dma_start3A_119 = tpu.memref_slice %arg15[%dma_start3A_117, %dma_start3A_118] : memref<10000x64xf32, #tpu.memory_space<vmem_shared>> -> memref<10000x64xf32, #tpu.memory_space<vmem_shared>>
      tpu.enqueue_indirect_dma source(%dma_start3A_119 : memref<10000x64xf32, #tpu.memory_space<vmem_shared>>) target(%arg12 : memref<128x64xf32, #tpu.memory_space<vmem>>) offsets(%arg8 : memref<128xi32, #tpu.memory_space<vmem>>) semaphore(%arg17 : memref<!tpu.dma_semaphore, #tpu.memory_space<semaphore_mem>>)
      "tpu.region"() ({
        %run_scoped3A_132 = tpu.sem_alloc : memref<!tpu.dma_semaphore, #tpu.memory_space<semaphore_mem>>
        %dma_start3A_133 = arith.constant 0 : i32
        %dma_start3A_134 = arith.constant 0 : i32
        %dma_start3A_135 = tpu.memref_slice %arg16[%dma_start3A_133, %dma_start3A_134] : memref<10112x64xf32, #tpu.memory_space<vmem_shared>> -> memref<10112x64xf32, #tpu.memory_space<vmem_shared>>
        tpu.enqueue_indirect_dma source(%arg11 : memref<128x64xf32, #tpu.memory_space<vmem>>) target(%dma_start3A_135 : memref<10112x64xf32, #tpu.memory_space<vmem_shared>>) offsets(%arg9 : memref<128xi32, #tpu.memory_space<vmem>>) semaphore(%run_scoped3A_132 : memref<!tpu.dma_semaphore, #tpu.memory_space<semaphore_mem>>) {add = true}
        %dma_wait3A_136 = arith.constant 0 : i32
        %dma_wait3A_137 = arith.constant 0 : i32
        %dma_wait3A_138 = tpu.memref_slice %arg16[%dma_wait3A_136, %dma_wait3A_137] : memref<10112x64xf32, #tpu.memory_space<vmem_shared>> -> memref<10112x64xf32, #tpu.memory_space<vmem_shared>>
        tpu.wait_indirect_dma semaphore(%run_scoped3A_132 : memref<!tpu.dma_semaphore, #tpu.memory_space<semaphore_mem>>) src(%arg11 : memref<128x64xf32, #tpu.memory_space<vmem>>) dst(%dma_wait3A_138 : memref<10112x64xf32, #tpu.memory_space<vmem_shared>>)
        tpu.yield
      }) : () -> ()
      %mul3A_120 = arith.constant 2 : i32
      %mul3A_121 = arith.muli %mul3A_120, %scan3A_103 : i32
      %add3A_122 = arith.constant 1 : i32
      %add3A_123 = arith.addi %mul3A_121, %add3A_122 : i32
      %dma_wait3A_124 = arith.constant 0 : i32
      %dma_wait3A_125 = arith.constant 0 : i32
      %dma_wait3A_126 = tpu.memref_slice %arg15[%dma_wait3A_124, %dma_wait3A_125] : memref<10000x64xf32, #tpu.memory_space<vmem_shared>> -> memref<10000x64xf32, #tpu.memory_space<vmem_shared>>
      tpu.wait_indirect_dma semaphore(%arg17 : memref<!tpu.dma_semaphore, #tpu.memory_space<semaphore_mem>>) src(%dma_wait3A_126 : memref<10000x64xf32, #tpu.memory_space<vmem_shared>>) dst(%arg12 : memref<128x64xf32, #tpu.memory_space<vmem>>)
      %lt3A_127 = arith.constant 39 : i32
      %lt3A_128 = arith.cmpi slt, %scan3A_103, %lt3A_127 : i32
      %convert_element_type3A_129 = arith.extui %lt3A_128 : i1 to i32
      %cond3A_130 = arith.constant 0 : i32
      %cond3A_131 = arith.cmpi ne, %convert_element_type3A_129, %cond3A_130 : i32
      scf.if %cond3A_131 {
        %add3A_132 = arith.constant 1 : i32
        %add3A_133 = arith.addi %add3A_123, %add3A_132 : i32
        %mul3A_134 = arith.constant 128 : i32
        %mul3A_135 = arith.muli %add3A_133, %mul3A_134 : i32
        %multiple_of3A_136 = tpu.assume_multiple %mul3A_135, 8 : i32
        %run_scoped3A_137 = arith.constant 0 : i32
        "tpu.region"() ({
          %run_scoped3A_142 = tpu.sem_alloc : memref<!tpu.dma_semaphore, #tpu.memory_space<semaphore_mem>>
          %dma_start3A_143 = arith.constant 0 : i32
          %dma_start3A_144 = arith.constant 0 : i32
          %dma_start3A_145 = tpu.memref_slice %arg14[%run_scoped3A_137, %dma_start3A_143, %dma_start3A_144] : memref<2x16x10240xi32, #tpu.memory_space<vmem_shared>> -> memref<1x16x10240xi32, #tpu.memory_space<vmem_shared>>
          %dma_start3A_146 = tpu.memref_squeeze %dma_start3A_145 : memref<1x16x10240xi32, #tpu.memory_space<vmem_shared>> -> memref<16x10240xi32, #tpu.memory_space<vmem_shared>>
          %dma_start3A_147 = arith.constant 0 : i32
          %dma_start3A_148 = tpu.memref_slice %dma_start3A_146[%arg1, %dma_start3A_147] : memref<16x10240xi32, #tpu.memory_space<vmem_shared>> -> memref<1x10240xi32, #tpu.memory_space<vmem_shared>>
          %dma_start3A_149 = tpu.memref_squeeze %dma_start3A_148 : memref<1x10240xi32, #tpu.memory_space<vmem_shared>> -> memref<10240xi32, #tpu.memory_space<vmem_shared>>
          %dma_start3A_150 = tpu.memref_slice %dma_start3A_149[%multiple_of3A_136] : memref<10240xi32, #tpu.memory_space<vmem_shared>> -> memref<128xi32, #tpu.memory_space<vmem_shared>>
          %dma_start3A_151 = arith.constant 0 : i32
          %dma_start3A_152 = arith.constant 0 : i32
          %dma_start3A_153 = tpu.memref_slice %arg14[%run_scoped3A_137, %dma_start3A_151, %dma_start3A_152] : memref<2x16x10240xi32, #tpu.memory_space<vmem_shared>> -> memref<1x16x10240xi32, #tpu.memory_space<vmem_shared>>
          %dma_start3A_154 = tpu.memref_squeeze %dma_start3A_153 : memref<1x16x10240xi32, #tpu.memory_space<vmem_shared>> -> memref<16x10240xi32, #tpu.memory_space<vmem_shared>>
          %dma_start3A_155 = arith.constant 0 : i32
          %dma_start3A_156 = tpu.memref_slice %dma_start3A_154[%arg1, %dma_start3A_155] : memref<16x10240xi32, #tpu.memory_space<vmem_shared>> -> memref<1x10240xi32, #tpu.memory_space<vmem_shared>>
          %dma_start3A_157 = tpu.memref_squeeze %dma_start3A_156 : memref<1x10240xi32, #tpu.memory_space<vmem_shared>> -> memref<10240xi32, #tpu.memory_space<vmem_shared>>
          %dma_start3A_158 = tpu.memref_slice %dma_start3A_157[%multiple_of3A_136] : memref<10240xi32, #tpu.memory_space<vmem_shared>> -> memref<128xi32, #tpu.memory_space<vmem_shared>>
          tpu.enqueue_dma source(%dma_start3A_158 : memref<128xi32, #tpu.memory_space<vmem_shared>>) target(%arg7 : memref<128xi32, #tpu.memory_space<vmem>>) target_semaphore(%run_scoped3A_142 : memref<!tpu.dma_semaphore, #tpu.memory_space<semaphore_mem>>)
          %dma_wait3A_159 = arith.constant 0 : i32
          %dma_wait3A_160 = arith.constant 0 : i32
          %dma_wait3A_161 = tpu.memref_slice %arg14[%run_scoped3A_137, %dma_wait3A_159, %dma_wait3A_160] : memref<2x16x10240xi32, #tpu.memory_space<vmem_shared>> -> memref<1x16x10240xi32, #tpu.memory_space<vmem_shared>>
          %dma_wait3A_162 = tpu.memref_squeeze %dma_wait3A_161 : memref<1x16x10240xi32, #tpu.memory_space<vmem_shared>> -> memref<16x10240xi32, #tpu.memory_space<vmem_shared>>
          %dma_wait3A_163 = arith.constant 0 : i32
          %dma_wait3A_164 = tpu.memref_slice %dma_wait3A_162[%arg1, %dma_wait3A_163] : memref<16x10240xi32, #tpu.memory_space<vmem_shared>> -> memref<1x10240xi32, #tpu.memory_space<vmem_shared>>
          %dma_wait3A_165 = tpu.memref_squeeze %dma_wait3A_164 : memref<1x10240xi32, #tpu.memory_space<vmem_shared>> -> memref<10240xi32, #tpu.memory_space<vmem_shared>>
          %dma_wait3A_166 = tpu.memref_slice %dma_wait3A_165[%multiple_of3A_136] : memref<10240xi32, #tpu.memory_space<vmem_shared>> -> memref<128xi32, #tpu.memory_space<vmem_shared>>
          %dma_wait3A_167 = arith.constant 0 : i32
          %dma_wait3A_168 = arith.constant 0 : i32
          %dma_wait3A_169 = tpu.memref_slice %arg14[%run_scoped3A_137, %dma_wait3A_167, %dma_wait3A_168] : memref<2x16x10240xi32, #tpu.memory_space<vmem_shared>> -> memref<1x16x10240xi32, #tpu.memory_space<vmem_shared>>
          %dma_wait3A_170 = tpu.memref_squeeze %dma_wait3A_169 : memref<1x16x10240xi32, #tpu.memory_space<vmem_shared>> -> memref<16x10240xi32, #tpu.memory_space<vmem_shared>>
          %dma_wait3A_171 = arith.constant 0 : i32
          %dma_wait3A_172 = tpu.memref_slice %dma_wait3A_170[%arg1, %dma_wait3A_171] : memref<16x10240xi32, #tpu.memory_space<vmem_shared>> -> memref<1x10240xi32, #tpu.memory_space<vmem_shared>>
          %dma_wait3A_173 = tpu.memref_squeeze %dma_wait3A_172 : memref<1x10240xi32, #tpu.memory_space<vmem_shared>> -> memref<10240xi32, #tpu.memory_space<vmem_shared>>
          %dma_wait3A_174 = tpu.memref_slice %dma_wait3A_173[%multiple_of3A_136] : memref<10240xi32, #tpu.memory_space<vmem_shared>> -> memref<128xi32, #tpu.memory_space<vmem_shared>>
          tpu.wait_dma2 semaphore(%run_scoped3A_142 : memref<!tpu.dma_semaphore, #tpu.memory_space<semaphore_mem>>) src(%dma_wait3A_174 : memref<128xi32, #tpu.memory_space<vmem_shared>>) dst(%arg7 : memref<128xi32, #tpu.memory_space<vmem>>)
          tpu.yield
        }) : () -> ()
        %run_scoped3A_138 = arith.constant 1 : i32
        "tpu.region"() ({
          %run_scoped3A_142 = tpu.sem_alloc : memref<!tpu.dma_semaphore, #tpu.memory_space<semaphore_mem>>
          %dma_start3A_143 = arith.constant 0 : i32
          %dma_start3A_144 = arith.constant 0 : i32
          %dma_start3A_145 = tpu.memref_slice %arg14[%run_scoped3A_138, %dma_start3A_143, %dma_start3A_144] : memref<2x16x10240xi32, #tpu.memory_space<vmem_shared>> -> memref<1x16x10240xi32, #tpu.memory_space<vmem_shared>>
          %dma_start3A_146 = tpu.memref_squeeze %dma_start3A_145 : memref<1x16x10240xi32, #tpu.memory_space<vmem_shared>> -> memref<16x10240xi32, #tpu.memory_space<vmem_shared>>
          %dma_start3A_147 = arith.constant 0 : i32
          %dma_start3A_148 = tpu.memref_slice %dma_start3A_146[%arg1, %dma_start3A_147] : memref<16x10240xi32, #tpu.memory_space<vmem_shared>> -> memref<1x10240xi32, #tpu.memory_space<vmem_shared>>
          %dma_start3A_149 = tpu.memref_squeeze %dma_start3A_148 : memref<1x10240xi32, #tpu.memory_space<vmem_shared>> -> memref<10240xi32, #tpu.memory_space<vmem_shared>>
          %dma_start3A_150 = tpu.memref_slice %dma_start3A_149[%multiple_of3A_136] : memref<10240xi32, #tpu.memory_space<vmem_shared>> -> memref<128xi32, #tpu.memory_space<vmem_shared>>
          %dma_start3A_151 = arith.constant 0 : i32
          %dma_start3A_152 = arith.constant 0 : i32
          %dma_start3A_153 = tpu.memref_slice %arg14[%run_scoped3A_138, %dma_start3A_151, %dma_start3A_152] : memref<2x16x10240xi32, #tpu.memory_space<vmem_shared>> -> memref<1x16x10240xi32, #tpu.memory_space<vmem_shared>>
          %dma_start3A_154 = tpu.memref_squeeze %dma_start3A_153 : memref<1x16x10240xi32, #tpu.memory_space<vmem_shared>> -> memref<16x10240xi32, #tpu.memory_space<vmem_shared>>
          %dma_start3A_155 = arith.constant 0 : i32
          %dma_start3A_156 = tpu.memref_slice %dma_start3A_154[%arg1, %dma_start3A_155] : memref<16x10240xi32, #tpu.memory_space<vmem_shared>> -> memref<1x10240xi32, #tpu.memory_space<vmem_shared>>
          %dma_start3A_157 = tpu.memref_squeeze %dma_start3A_156 : memref<1x10240xi32, #tpu.memory_space<vmem_shared>> -> memref<10240xi32, #tpu.memory_space<vmem_shared>>
          %dma_start3A_158 = tpu.memref_slice %dma_start3A_157[%multiple_of3A_136] : memref<10240xi32, #tpu.memory_space<vmem_shared>> -> memref<128xi32, #tpu.memory_space<vmem_shared>>
          tpu.enqueue_dma source(%dma_start3A_158 : memref<128xi32, #tpu.memory_space<vmem_shared>>) target(%arg9 : memref<128xi32, #tpu.memory_space<vmem>>) target_semaphore(%run_scoped3A_142 : memref<!tpu.dma_semaphore, #tpu.memory_space<semaphore_mem>>)
          %dma_wait3A_159 = arith.constant 0 : i32
          %dma_wait3A_160 = arith.constant 0 : i32
          %dma_wait3A_161 = tpu.memref_slice %arg14[%run_scoped3A_138, %dma_wait3A_159, %dma_wait3A_160] : memref<2x16x10240xi32, #tpu.memory_space<vmem_shared>> -> memref<1x16x10240xi32, #tpu.memory_space<vmem_shared>>
          %dma_wait3A_162 = tpu.memref_squeeze %dma_wait3A_161 : memref<1x16x10240xi32, #tpu.memory_space<vmem_shared>> -> memref<16x10240xi32, #tpu.memory_space<vmem_shared>>
          %dma_wait3A_163 = arith.constant 0 : i32
          %dma_wait3A_164 = tpu.memref_slice %dma_wait3A_162[%arg1, %dma_wait3A_163] : memref<16x10240xi32, #tpu.memory_space<vmem_shared>> -> memref<1x10240xi32, #tpu.memory_space<vmem_shared>>
          %dma_wait3A_165 = tpu.memref_squeeze %dma_wait3A_164 : memref<1x10240xi32, #tpu.memory_space<vmem_shared>> -> memref<10240xi32, #tpu.memory_space<vmem_shared>>
          %dma_wait3A_166 = tpu.memref_slice %dma_wait3A_165[%multiple_of3A_136] : memref<10240xi32, #tpu.memory_space<vmem_shared>> -> memref<128xi32, #tpu.memory_space<vmem_shared>>
          %dma_wait3A_167 = arith.constant 0 : i32
          %dma_wait3A_168 = arith.constant 0 : i32
          %dma_wait3A_169 = tpu.memref_slice %arg14[%run_scoped3A_138, %dma_wait3A_167, %dma_wait3A_168] : memref<2x16x10240xi32, #tpu.memory_space<vmem_shared>> -> memref<1x16x10240xi32, #tpu.memory_space<vmem_shared>>
          %dma_wait3A_170 = tpu.memref_squeeze %dma_wait3A_169 : memref<1x16x10240xi32, #tpu.memory_space<vmem_shared>> -> memref<16x10240xi32, #tpu.memory_space<vmem_shared>>
          %dma_wait3A_171 = arith.constant 0 : i32
          %dma_wait3A_172 = tpu.memref_slice %dma_wait3A_170[%arg1, %dma_wait3A_171] : memref<16x10240xi32, #tpu.memory_space<vmem_shared>> -> memref<1x10240xi32, #tpu.memory_space<vmem_shared>>
          %dma_wait3A_173 = tpu.memref_squeeze %dma_wait3A_172 : memref<1x10240xi32, #tpu.memory_space<vmem_shared>> -> memref<10240xi32, #tpu.memory_space<vmem_shared>>
          %dma_wait3A_174 = tpu.memref_slice %dma_wait3A_173[%multiple_of3A_136] : memref<10240xi32, #tpu.memory_space<vmem_shared>> -> memref<128xi32, #tpu.memory_space<vmem_shared>>
          tpu.wait_dma2 semaphore(%run_scoped3A_142 : memref<!tpu.dma_semaphore, #tpu.memory_space<semaphore_mem>>) src(%dma_wait3A_174 : memref<128xi32, #tpu.memory_space<vmem_shared>>) dst(%arg9 : memref<128xi32, #tpu.memory_space<vmem>>)
          tpu.yield
        }) : () -> ()
        %dma_start3A_139 = arith.constant 0 : i32
        %dma_start3A_140 = arith.constant 0 : i32
        %dma_start3A_141 = tpu.memref_slice %arg15[%dma_start3A_139, %dma_start3A_140] : memref<10000x64xf32, #tpu.memory_space<vmem_shared>> -> memref<10000x64xf32, #tpu.memory_space<vmem_shared>>
        tpu.enqueue_indirect_dma source(%dma_start3A_141 : memref<10000x64xf32, #tpu.memory_space<vmem_shared>>) target(%arg11 : memref<128x64xf32, #tpu.memory_space<vmem>>) offsets(%arg7 : memref<128xi32, #tpu.memory_space<vmem>>) semaphore(%arg17 : memref<!tpu.dma_semaphore, #tpu.memory_space<semaphore_mem>>)
      } else {
      }
      "tpu.region"() ({
        %run_scoped3A_132 = tpu.sem_alloc : memref<!tpu.dma_semaphore, #tpu.memory_space<semaphore_mem>>
        %dma_start3A_133 = arith.constant 0 : i32
        %dma_start3A_134 = arith.constant 0 : i32
        %dma_start3A_135 = tpu.memref_slice %arg16[%dma_start3A_133, %dma_start3A_134] : memref<10112x64xf32, #tpu.memory_space<vmem_shared>> -> memref<10112x64xf32, #tpu.memory_space<vmem_shared>>
        tpu.enqueue_indirect_dma source(%arg12 : memref<128x64xf32, #tpu.memory_space<vmem>>) target(%dma_start3A_135 : memref<10112x64xf32, #tpu.memory_space<vmem_shared>>) offsets(%arg10 : memref<128xi32, #tpu.memory_space<vmem>>) semaphore(%run_scoped3A_132 : memref<!tpu.dma_semaphore, #tpu.memory_space<semaphore_mem>>) {add = true}
        %dma_wait3A_136 = arith.constant 0 : i32
        %dma_wait3A_137 = arith.constant 0 : i32
        %dma_wait3A_138 = tpu.memref_slice %arg16[%dma_wait3A_136, %dma_wait3A_137] : memref<10112x64xf32, #tpu.memory_space<vmem_shared>> -> memref<10112x64xf32, #tpu.memory_space<vmem_shared>>
        tpu.wait_indirect_dma semaphore(%run_scoped3A_132 : memref<!tpu.dma_semaphore, #tpu.memory_space<semaphore_mem>>) src(%arg12 : memref<128x64xf32, #tpu.memory_space<vmem>>) dst(%dma_wait3A_138 : memref<10112x64xf32, #tpu.memory_space<vmem_shared>>)
        tpu.yield
      }) : () -> ()
    }
    %scan3A_43 = arith.constant 40 : i32
    %mul3A_44 = arith.constant 160 : i32
    %mul3A_45 = arith.muli %arg1, %mul3A_44 : i32
    %add3A_46 = arith.constant 80 : i32
    %add3A_47 = arith.addi %mul3A_45, %add3A_46 : i32
    %mul3A_48 = arith.constant 128 : i32
    %mul3A_49 = arith.muli %add3A_47, %mul3A_48 : i32
    %multiple_of3A_50 = tpu.assume_multiple %mul3A_49, 8 : i32
    %lt3A = arith.constant 15 : i32
    %lt3A_51 = arith.cmpi slt, %arg1, %lt3A : i32
    %convert_element_type3A_52 = arith.extui %lt3A_51 : i1 to i32
    %cond3A_53 = arith.constant 0 : i32
    %cond3A_54 = arith.cmpi ne, %convert_element_type3A_52, %cond3A_53 : i32
    scf.if %cond3A_54 {
      %run_scoped3A_103 = arith.constant 0 : i32
      %run_scoped3A_104 = arith.constant 0 : i32
      "tpu.region"() ({
        %run_scoped3A_107 = tpu.sem_alloc : memref<!tpu.dma_semaphore, #tpu.memory_space<semaphore_mem>>
        %dma_start3A_108 = arith.constant 0 : i32
        %dma_start3A_109 = arith.constant 0 : i32
        %dma_start3A_110 = tpu.memref_slice %arg14[%run_scoped3A_104, %dma_start3A_108, %dma_start3A_109] : memref<2x16x10240xi32, #tpu.memory_space<vmem_shared>> -> memref<1x16x10240xi32, #tpu.memory_space<vmem_shared>>
        %dma_start3A_111 = tpu.memref_squeeze %dma_start3A_110 : memref<1x16x10240xi32, #tpu.memory_space<vmem_shared>> -> memref<16x10240xi32, #tpu.memory_space<vmem_shared>>
        %dma_start3A_112 = arith.constant 0 : i32
        %dma_start3A_113 = tpu.memref_slice %dma_start3A_111[%arg1, %dma_start3A_112] : memref<16x10240xi32, #tpu.memory_space<vmem_shared>> -> memref<1x10240xi32, #tpu.memory_space<vmem_shared>>
        %dma_start3A_114 = tpu.memref_squeeze %dma_start3A_113 : memref<1x10240xi32, #tpu.memory_space<vmem_shared>> -> memref<10240xi32, #tpu.memory_space<vmem_shared>>
        %dma_start3A_115 = arith.constant 0 : i32
        %dma_start3A_116 = tpu.memref_slice %arg3[%run_scoped3A_103, %dma_start3A_115] : memref<2x320000xi32, #tpu.memory_space<hbm>> -> memref<1x320000xi32, #tpu.memory_space<hbm>>
        %dma_start3A_117 = tpu.memref_squeeze %dma_start3A_116 : memref<1x320000xi32, #tpu.memory_space<hbm>> -> memref<320000xi32, #tpu.memory_space<hbm>>
        %dma_start3A_118 = tpu.memref_slice %dma_start3A_117[%multiple_of3A_50] : memref<320000xi32, #tpu.memory_space<hbm>> -> memref<10240xi32, #tpu.memory_space<hbm>>
        tpu.enqueue_dma source(%dma_start3A_118 : memref<10240xi32, #tpu.memory_space<hbm>>) target(%dma_start3A_114 : memref<10240xi32, #tpu.memory_space<vmem_shared>>) target_semaphore(%run_scoped3A_107 : memref<!tpu.dma_semaphore, #tpu.memory_space<semaphore_mem>>)
        %dma_wait3A = arith.constant 0 : i32
        %dma_wait3A_119 = arith.constant 0 : i32
        %dma_wait3A_120 = tpu.memref_slice %arg14[%run_scoped3A_104, %dma_wait3A, %dma_wait3A_119] : memref<2x16x10240xi32, #tpu.memory_space<vmem_shared>> -> memref<1x16x10240xi32, #tpu.memory_space<vmem_shared>>
        %dma_wait3A_121 = tpu.memref_squeeze %dma_wait3A_120 : memref<1x16x10240xi32, #tpu.memory_space<vmem_shared>> -> memref<16x10240xi32, #tpu.memory_space<vmem_shared>>
        %dma_wait3A_122 = arith.constant 0 : i32
        %dma_wait3A_123 = tpu.memref_slice %dma_wait3A_121[%arg1, %dma_wait3A_122] : memref<16x10240xi32, #tpu.memory_space<vmem_shared>> -> memref<1x10240xi32, #tpu.memory_space<vmem_shared>>
        %dma_wait3A_124 = tpu.memref_squeeze %dma_wait3A_123 : memref<1x10240xi32, #tpu.memory_space<vmem_shared>> -> memref<10240xi32, #tpu.memory_space<vmem_shared>>
        %dma_wait3A_125 = arith.constant 0 : i32
        %dma_wait3A_126 = tpu.memref_slice %arg3[%run_scoped3A_103, %dma_wait3A_125] : memref<2x320000xi32, #tpu.memory_space<hbm>> -> memref<1x320000xi32, #tpu.memory_space<hbm>>
        %dma_wait3A_127 = tpu.memref_squeeze %dma_wait3A_126 : memref<1x320000xi32, #tpu.memory_space<hbm>> -> memref<320000xi32, #tpu.memory_space<hbm>>
        %dma_wait3A_128 = tpu.memref_slice %dma_wait3A_127[%multiple_of3A_50] : memref<320000xi32, #tpu.memory_space<hbm>> -> memref<10240xi32, #tpu.memory_space<hbm>>
        tpu.wait_dma2 semaphore(%run_scoped3A_107 : memref<!tpu.dma_semaphore, #tpu.memory_space<semaphore_mem>>) src(%dma_wait3A_128 : memref<10240xi32, #tpu.memory_space<hbm>>) dst(%dma_wait3A_124 : memref<10240xi32, #tpu.memory_space<vmem_shared>>)
        tpu.yield
      }) : () -> ()
      %run_scoped3A_105 = arith.constant 1 : i32
      %run_scoped3A_106 = arith.constant 1 : i32
      "tpu.region"() ({
        %run_scoped3A_107 = tpu.sem_alloc : memref<!tpu.dma_semaphore, #tpu.memory_space<semaphore_mem>>
        %dma_start3A_108 = arith.constant 0 : i32
        %dma_start3A_109 = arith.constant 0 : i32
        %dma_start3A_110 = tpu.memref_slice %arg14[%run_scoped3A_106, %dma_start3A_108, %dma_start3A_109] : memref<2x16x10240xi32, #tpu.memory_space<vmem_shared>> -> memref<1x16x10240xi32, #tpu.memory_space<vmem_shared>>
        %dma_start3A_111 = tpu.memref_squeeze %dma_start3A_110 : memref<1x16x10240xi32, #tpu.memory_space<vmem_shared>> -> memref<16x10240xi32, #tpu.memory_space<vmem_shared>>
        %dma_start3A_112 = arith.constant 0 : i32
        %dma_start3A_113 = tpu.memref_slice %dma_start3A_111[%arg1, %dma_start3A_112] : memref<16x10240xi32, #tpu.memory_space<vmem_shared>> -> memref<1x10240xi32, #tpu.memory_space<vmem_shared>>
        %dma_start3A_114 = tpu.memref_squeeze %dma_start3A_113 : memref<1x10240xi32, #tpu.memory_space<vmem_shared>> -> memref<10240xi32, #tpu.memory_space<vmem_shared>>
        %dma_start3A_115 = arith.constant 0 : i32
        %dma_start3A_116 = tpu.memref_slice %arg3[%run_scoped3A_105, %dma_start3A_115] : memref<2x320000xi32, #tpu.memory_space<hbm>> -> memref<1x320000xi32, #tpu.memory_space<hbm>>
        %dma_start3A_117 = tpu.memref_squeeze %dma_start3A_116 : memref<1x320000xi32, #tpu.memory_space<hbm>> -> memref<320000xi32, #tpu.memory_space<hbm>>
        %dma_start3A_118 = tpu.memref_slice %dma_start3A_117[%multiple_of3A_50] : memref<320000xi32, #tpu.memory_space<hbm>> -> memref<10240xi32, #tpu.memory_space<hbm>>
        tpu.enqueue_dma source(%dma_start3A_118 : memref<10240xi32, #tpu.memory_space<hbm>>) target(%dma_start3A_114 : memref<10240xi32, #tpu.memory_space<vmem_shared>>) target_semaphore(%run_scoped3A_107 : memref<!tpu.dma_semaphore, #tpu.memory_space<semaphore_mem>>)
        %dma_wait3A = arith.constant 0 : i32
        %dma_wait3A_119 = arith.constant 0 : i32
        %dma_wait3A_120 = tpu.memref_slice %arg14[%run_scoped3A_106, %dma_wait3A, %dma_wait3A_119] : memref<2x16x10240xi32, #tpu.memory_space<vmem_shared>> -> memref<1x16x10240xi32, #tpu.memory_space<vmem_shared>>
        %dma_wait3A_121 = tpu.memref_squeeze %dma_wait3A_120 : memref<1x16x10240xi32, #tpu.memory_space<vmem_shared>> -> memref<16x10240xi32, #tpu.memory_space<vmem_shared>>
        %dma_wait3A_122 = arith.constant 0 : i32
        %dma_wait3A_123 = tpu.memref_slice %dma_wait3A_121[%arg1, %dma_wait3A_122] : memref<16x10240xi32, #tpu.memory_space<vmem_shared>> -> memref<1x10240xi32, #tpu.memory_space<vmem_shared>>
        %dma_wait3A_124 = tpu.memref_squeeze %dma_wait3A_123 : memref<1x10240xi32, #tpu.memory_space<vmem_shared>> -> memref<10240xi32, #tpu.memory_space<vmem_shared>>
        %dma_wait3A_125 = arith.constant 0 : i32
        %dma_wait3A_126 = tpu.memref_slice %arg3[%run_scoped3A_105, %dma_wait3A_125] : memref<2x320000xi32, #tpu.memory_space<hbm>> -> memref<1x320000xi32, #tpu.memory_space<hbm>>
        %dma_wait3A_127 = tpu.memref_squeeze %dma_wait3A_126 : memref<1x320000xi32, #tpu.memory_space<hbm>> -> memref<320000xi32, #tpu.memory_space<hbm>>
        %dma_wait3A_128 = tpu.memref_slice %dma_wait3A_127[%multiple_of3A_50] : memref<320000xi32, #tpu.memory_space<hbm>> -> memref<10240xi32, #tpu.memory_space<hbm>>
        tpu.wait_dma2 semaphore(%run_scoped3A_107 : memref<!tpu.dma_semaphore, #tpu.memory_space<semaphore_mem>>) src(%dma_wait3A_128 : memref<10240xi32, #tpu.memory_space<hbm>>) dst(%dma_wait3A_124 : memref<10240xi32, #tpu.memory_space<vmem_shared>>)
        tpu.yield
      }) : () -> ()
    } else {
    }
    %eq3A_55 = arith.constant 15 : i32
    %eq3A_56 = arith.cmpi eq, %arg1, %eq3A_55 : i32
    %convert_element_type3A_57 = arith.extui %eq3A_56 : i1 to i32
    %cond3A_58 = arith.constant 0 : i32
    %cond3A_59 = arith.cmpi ne, %convert_element_type3A_57, %cond3A_58 : i32
    scf.if %cond3A_59 {
      %run_scoped3A_103 = arith.constant 0 : i32
      %run_scoped3A_104 = arith.constant 0 : i32
      "tpu.region"() ({
        %run_scoped3A_111 = tpu.sem_alloc : memref<!tpu.dma_semaphore, #tpu.memory_space<semaphore_mem>>
        %dma_start3A_112 = arith.constant 0 : i32
        %dma_start3A_113 = arith.constant 0 : i32
        %dma_start3A_114 = tpu.memref_slice %arg14[%run_scoped3A_104, %dma_start3A_112, %dma_start3A_113] : memref<2x16x10240xi32, #tpu.memory_space<vmem_shared>> -> memref<1x16x10240xi32, #tpu.memory_space<vmem_shared>>
        %dma_start3A_115 = tpu.memref_squeeze %dma_start3A_114 : memref<1x16x10240xi32, #tpu.memory_space<vmem_shared>> -> memref<16x10240xi32, #tpu.memory_space<vmem_shared>>
        %dma_start3A_116 = arith.constant 0 : i32
        %dma_start3A_117 = tpu.memref_slice %dma_start3A_115[%arg1, %dma_start3A_116] : memref<16x10240xi32, #tpu.memory_space<vmem_shared>> -> memref<1x10240xi32, #tpu.memory_space<vmem_shared>>
        %dma_start3A_118 = tpu.memref_squeeze %dma_start3A_117 : memref<1x10240xi32, #tpu.memory_space<vmem_shared>> -> memref<10240xi32, #tpu.memory_space<vmem_shared>>
        %dma_start3A_119 = arith.constant 0 : i32
        %dma_start3A_120 = tpu.memref_slice %dma_start3A_118[%dma_start3A_119] : memref<10240xi32, #tpu.memory_space<vmem_shared>> -> memref<2560xi32, #tpu.memory_space<vmem_shared>>
        %dma_start3A_121 = arith.constant 0 : i32
        %dma_start3A_122 = tpu.memref_slice %arg3[%run_scoped3A_103, %dma_start3A_121] : memref<2x320000xi32, #tpu.memory_space<hbm>> -> memref<1x320000xi32, #tpu.memory_space<hbm>>
        %dma_start3A_123 = tpu.memref_squeeze %dma_start3A_122 : memref<1x320000xi32, #tpu.memory_space<hbm>> -> memref<320000xi32, #tpu.memory_space<hbm>>
        %dma_start3A_124 = tpu.memref_slice %dma_start3A_123[%multiple_of3A_50] : memref<320000xi32, #tpu.memory_space<hbm>> -> memref<2560xi32, #tpu.memory_space<hbm>>
        tpu.enqueue_dma source(%dma_start3A_124 : memref<2560xi32, #tpu.memory_space<hbm>>) target(%dma_start3A_120 : memref<2560xi32, #tpu.memory_space<vmem_shared>>) target_semaphore(%run_scoped3A_111 : memref<!tpu.dma_semaphore, #tpu.memory_space<semaphore_mem>>)
        %dma_wait3A = arith.constant 0 : i32
        %dma_wait3A_125 = arith.constant 0 : i32
        %dma_wait3A_126 = tpu.memref_slice %arg14[%run_scoped3A_104, %dma_wait3A, %dma_wait3A_125] : memref<2x16x10240xi32, #tpu.memory_space<vmem_shared>> -> memref<1x16x10240xi32, #tpu.memory_space<vmem_shared>>
        %dma_wait3A_127 = tpu.memref_squeeze %dma_wait3A_126 : memref<1x16x10240xi32, #tpu.memory_space<vmem_shared>> -> memref<16x10240xi32, #tpu.memory_space<vmem_shared>>
        %dma_wait3A_128 = arith.constant 0 : i32
        %dma_wait3A_129 = tpu.memref_slice %dma_wait3A_127[%arg1, %dma_wait3A_128] : memref<16x10240xi32, #tpu.memory_space<vmem_shared>> -> memref<1x10240xi32, #tpu.memory_space<vmem_shared>>
        %dma_wait3A_130 = tpu.memref_squeeze %dma_wait3A_129 : memref<1x10240xi32, #tpu.memory_space<vmem_shared>> -> memref<10240xi32, #tpu.memory_space<vmem_shared>>
        %dma_wait3A_131 = arith.constant 0 : i32
        %dma_wait3A_132 = tpu.memref_slice %dma_wait3A_130[%dma_wait3A_131] : memref<10240xi32, #tpu.memory_space<vmem_shared>> -> memref<2560xi32, #tpu.memory_space<vmem_shared>>
        %dma_wait3A_133 = arith.constant 0 : i32
        %dma_wait3A_134 = tpu.memref_slice %arg3[%run_scoped3A_103, %dma_wait3A_133] : memref<2x320000xi32, #tpu.memory_space<hbm>> -> memref<1x320000xi32, #tpu.memory_space<hbm>>
        %dma_wait3A_135 = tpu.memref_squeeze %dma_wait3A_134 : memref<1x320000xi32, #tpu.memory_space<hbm>> -> memref<320000xi32, #tpu.memory_space<hbm>>
        %dma_wait3A_136 = tpu.memref_slice %dma_wait3A_135[%multiple_of3A_50] : memref<320000xi32, #tpu.memory_space<hbm>> -> memref<2560xi32, #tpu.memory_space<hbm>>
        tpu.wait_dma2 semaphore(%run_scoped3A_111 : memref<!tpu.dma_semaphore, #tpu.memory_space<semaphore_mem>>) src(%dma_wait3A_136 : memref<2560xi32, #tpu.memory_space<hbm>>) dst(%dma_wait3A_132 : memref<2560xi32, #tpu.memory_space<vmem_shared>>)
        tpu.yield
      }) : () -> ()
      %run_scoped3A_105 = arith.constant 0 : i32
      %run_scoped3A_106 = arith.constant 0 : i32
      "tpu.region"() ({
        %run_scoped3A_111 = tpu.sem_alloc : memref<!tpu.dma_semaphore, #tpu.memory_space<semaphore_mem>>
        %dma_start3A_112 = arith.constant 0 : i32
        %dma_start3A_113 = arith.constant 0 : i32
        %dma_start3A_114 = tpu.memref_slice %arg14[%run_scoped3A_106, %dma_start3A_112, %dma_start3A_113] : memref<2x16x10240xi32, #tpu.memory_space<vmem_shared>> -> memref<1x16x10240xi32, #tpu.memory_space<vmem_shared>>
        %dma_start3A_115 = tpu.memref_squeeze %dma_start3A_114 : memref<1x16x10240xi32, #tpu.memory_space<vmem_shared>> -> memref<16x10240xi32, #tpu.memory_space<vmem_shared>>
        %dma_start3A_116 = arith.constant 0 : i32
        %dma_start3A_117 = tpu.memref_slice %dma_start3A_115[%arg1, %dma_start3A_116] : memref<16x10240xi32, #tpu.memory_space<vmem_shared>> -> memref<1x10240xi32, #tpu.memory_space<vmem_shared>>
        %dma_start3A_118 = tpu.memref_squeeze %dma_start3A_117 : memref<1x10240xi32, #tpu.memory_space<vmem_shared>> -> memref<10240xi32, #tpu.memory_space<vmem_shared>>
        %dma_start3A_119 = arith.constant 2560 : i32
        %dma_start3A_120 = tpu.memref_slice %dma_start3A_118[%dma_start3A_119] : memref<10240xi32, #tpu.memory_space<vmem_shared>> -> memref<7680xi32, #tpu.memory_space<vmem_shared>>
        %dma_start3A_121 = arith.constant 0 : i32
        %dma_start3A_122 = tpu.memref_slice %arg4[%run_scoped3A_105, %dma_start3A_121] : memref<2x7680xi32, #tpu.memory_space<hbm>> -> memref<1x7680xi32, #tpu.memory_space<hbm>>
        %dma_start3A_123 = tpu.memref_squeeze %dma_start3A_122 : memref<1x7680xi32, #tpu.memory_space<hbm>> -> memref<7680xi32, #tpu.memory_space<hbm>>
        tpu.enqueue_dma source(%dma_start3A_123 : memref<7680xi32, #tpu.memory_space<hbm>>) target(%dma_start3A_120 : memref<7680xi32, #tpu.memory_space<vmem_shared>>) target_semaphore(%run_scoped3A_111 : memref<!tpu.dma_semaphore, #tpu.memory_space<semaphore_mem>>)
        %dma_wait3A = arith.constant 0 : i32
        %dma_wait3A_124 = arith.constant 0 : i32
        %dma_wait3A_125 = tpu.memref_slice %arg14[%run_scoped3A_106, %dma_wait3A, %dma_wait3A_124] : memref<2x16x10240xi32, #tpu.memory_space<vmem_shared>> -> memref<1x16x10240xi32, #tpu.memory_space<vmem_shared>>
        %dma_wait3A_126 = tpu.memref_squeeze %dma_wait3A_125 : memref<1x16x10240xi32, #tpu.memory_space<vmem_shared>> -> memref<16x10240xi32, #tpu.memory_space<vmem_shared>>
        %dma_wait3A_127 = arith.constant 0 : i32
        %dma_wait3A_128 = tpu.memref_slice %dma_wait3A_126[%arg1, %dma_wait3A_127] : memref<16x10240xi32, #tpu.memory_space<vmem_shared>> -> memref<1x10240xi32, #tpu.memory_space<vmem_shared>>
        %dma_wait3A_129 = tpu.memref_squeeze %dma_wait3A_128 : memref<1x10240xi32, #tpu.memory_space<vmem_shared>> -> memref<10240xi32, #tpu.memory_space<vmem_shared>>
        %dma_wait3A_130 = arith.constant 2560 : i32
        %dma_wait3A_131 = tpu.memref_slice %dma_wait3A_129[%dma_wait3A_130] : memref<10240xi32, #tpu.memory_space<vmem_shared>> -> memref<7680xi32, #tpu.memory_space<vmem_shared>>
        %dma_wait3A_132 = arith.constant 0 : i32
        %dma_wait3A_133 = tpu.memref_slice %arg4[%run_scoped3A_105, %dma_wait3A_132] : memref<2x7680xi32, #tpu.memory_space<hbm>> -> memref<1x7680xi32, #tpu.memory_space<hbm>>
        %dma_wait3A_134 = tpu.memref_squeeze %dma_wait3A_133 : memref<1x7680xi32, #tpu.memory_space<hbm>> -> memref<7680xi32, #tpu.memory_space<hbm>>
        tpu.wait_dma2 semaphore(%run_scoped3A_111 : memref<!tpu.dma_semaphore, #tpu.memory_space<semaphore_mem>>) src(%dma_wait3A_134 : memref<7680xi32, #tpu.memory_space<hbm>>) dst(%dma_wait3A_131 : memref<7680xi32, #tpu.memory_space<vmem_shared>>)
        tpu.yield
      }) : () -> ()
      %run_scoped3A_107 = arith.constant 1 : i32
      %run_scoped3A_108 = arith.constant 1 : i32
      "tpu.region"() ({
        %run_scoped3A_111 = tpu.sem_alloc : memref<!tpu.dma_semaphore, #tpu.memory_space<semaphore_mem>>
        %dma_start3A_112 = arith.constant 0 : i32
        %dma_start3A_113 = arith.constant 0 : i32
        %dma_start3A_114 = tpu.memref_slice %arg14[%run_scoped3A_108, %dma_start3A_112, %dma_start3A_113] : memref<2x16x10240xi32, #tpu.memory_space<vmem_shared>> -> memref<1x16x10240xi32, #tpu.memory_space<vmem_shared>>
        %dma_start3A_115 = tpu.memref_squeeze %dma_start3A_114 : memref<1x16x10240xi32, #tpu.memory_space<vmem_shared>> -> memref<16x10240xi32, #tpu.memory_space<vmem_shared>>
        %dma_start3A_116 = arith.constant 0 : i32
        %dma_start3A_117 = tpu.memref_slice %dma_start3A_115[%arg1, %dma_start3A_116] : memref<16x10240xi32, #tpu.memory_space<vmem_shared>> -> memref<1x10240xi32, #tpu.memory_space<vmem_shared>>
        %dma_start3A_118 = tpu.memref_squeeze %dma_start3A_117 : memref<1x10240xi32, #tpu.memory_space<vmem_shared>> -> memref<10240xi32, #tpu.memory_space<vmem_shared>>
        %dma_start3A_119 = arith.constant 0 : i32
        %dma_start3A_120 = tpu.memref_slice %dma_start3A_118[%dma_start3A_119] : memref<10240xi32, #tpu.memory_space<vmem_shared>> -> memref<2560xi32, #tpu.memory_space<vmem_shared>>
        %dma_start3A_121 = arith.constant 0 : i32
        %dma_start3A_122 = tpu.memref_slice %arg3[%run_scoped3A_107, %dma_start3A_121] : memref<2x320000xi32, #tpu.memory_space<hbm>> -> memref<1x320000xi32, #tpu.memory_space<hbm>>
        %dma_start3A_123 = tpu.memref_squeeze %dma_start3A_122 : memref<1x320000xi32, #tpu.memory_space<hbm>> -> memref<320000xi32, #tpu.memory_space<hbm>>
        %dma_start3A_124 = tpu.memref_slice %dma_start3A_123[%multiple_of3A_50] : memref<320000xi32, #tpu.memory_space<hbm>> -> memref<2560xi32, #tpu.memory_space<hbm>>
        tpu.enqueue_dma source(%dma_start3A_124 : memref<2560xi32, #tpu.memory_space<hbm>>) target(%dma_start3A_120 : memref<2560xi32, #tpu.memory_space<vmem_shared>>) target_semaphore(%run_scoped3A_111 : memref<!tpu.dma_semaphore, #tpu.memory_space<semaphore_mem>>)
        %dma_wait3A = arith.constant 0 : i32
        %dma_wait3A_125 = arith.constant 0 : i32
        %dma_wait3A_126 = tpu.memref_slice %arg14[%run_scoped3A_108, %dma_wait3A, %dma_wait3A_125] : memref<2x16x10240xi32, #tpu.memory_space<vmem_shared>> -> memref<1x16x10240xi32, #tpu.memory_space<vmem_shared>>
        %dma_wait3A_127 = tpu.memref_squeeze %dma_wait3A_126 : memref<1x16x10240xi32, #tpu.memory_space<vmem_shared>> -> memref<16x10240xi32, #tpu.memory_space<vmem_shared>>
        %dma_wait3A_128 = arith.constant 0 : i32
        %dma_wait3A_129 = tpu.memref_slice %dma_wait3A_127[%arg1, %dma_wait3A_128] : memref<16x10240xi32, #tpu.memory_space<vmem_shared>> -> memref<1x10240xi32, #tpu.memory_space<vmem_shared>>
        %dma_wait3A_130 = tpu.memref_squeeze %dma_wait3A_129 : memref<1x10240xi32, #tpu.memory_space<vmem_shared>> -> memref<10240xi32, #tpu.memory_space<vmem_shared>>
        %dma_wait3A_131 = arith.constant 0 : i32
        %dma_wait3A_132 = tpu.memref_slice %dma_wait3A_130[%dma_wait3A_131] : memref<10240xi32, #tpu.memory_space<vmem_shared>> -> memref<2560xi32, #tpu.memory_space<vmem_shared>>
        %dma_wait3A_133 = arith.constant 0 : i32
        %dma_wait3A_134 = tpu.memref_slice %arg3[%run_scoped3A_107, %dma_wait3A_133] : memref<2x320000xi32, #tpu.memory_space<hbm>> -> memref<1x320000xi32, #tpu.memory_space<hbm>>
        %dma_wait3A_135 = tpu.memref_squeeze %dma_wait3A_134 : memref<1x320000xi32, #tpu.memory_space<hbm>> -> memref<320000xi32, #tpu.memory_space<hbm>>
        %dma_wait3A_136 = tpu.memref_slice %dma_wait3A_135[%multiple_of3A_50] : memref<320000xi32, #tpu.memory_space<hbm>> -> memref<2560xi32, #tpu.memory_space<hbm>>
        tpu.wait_dma2 semaphore(%run_scoped3A_111 : memref<!tpu.dma_semaphore, #tpu.memory_space<semaphore_mem>>) src(%dma_wait3A_136 : memref<2560xi32, #tpu.memory_space<hbm>>) dst(%dma_wait3A_132 : memref<2560xi32, #tpu.memory_space<vmem_shared>>)
        tpu.yield
      }) : () -> ()
      %run_scoped3A_109 = arith.constant 1 : i32
      %run_scoped3A_110 = arith.constant 1 : i32
      "tpu.region"() ({
        %run_scoped3A_111 = tpu.sem_alloc : memref<!tpu.dma_semaphore, #tpu.memory_space<semaphore_mem>>
        %dma_start3A_112 = arith.constant 0 : i32
        %dma_start3A_113 = arith.constant 0 : i32
        %dma_start3A_114 = tpu.memref_slice %arg14[%run_scoped3A_110, %dma_start3A_112, %dma_start3A_113] : memref<2x16x10240xi32, #tpu.memory_space<vmem_shared>> -> memref<1x16x10240xi32, #tpu.memory_space<vmem_shared>>
        %dma_start3A_115 = tpu.memref_squeeze %dma_start3A_114 : memref<1x16x10240xi32, #tpu.memory_space<vmem_shared>> -> memref<16x10240xi32, #tpu.memory_space<vmem_shared>>
        %dma_start3A_116 = arith.constant 0 : i32
        %dma_start3A_117 = tpu.memref_slice %dma_start3A_115[%arg1, %dma_start3A_116] : memref<16x10240xi32, #tpu.memory_space<vmem_shared>> -> memref<1x10240xi32, #tpu.memory_space<vmem_shared>>
        %dma_start3A_118 = tpu.memref_squeeze %dma_start3A_117 : memref<1x10240xi32, #tpu.memory_space<vmem_shared>> -> memref<10240xi32, #tpu.memory_space<vmem_shared>>
        %dma_start3A_119 = arith.constant 2560 : i32
        %dma_start3A_120 = tpu.memref_slice %dma_start3A_118[%dma_start3A_119] : memref<10240xi32, #tpu.memory_space<vmem_shared>> -> memref<7680xi32, #tpu.memory_space<vmem_shared>>
        %dma_start3A_121 = arith.constant 0 : i32
        %dma_start3A_122 = tpu.memref_slice %arg4[%run_scoped3A_109, %dma_start3A_121] : memref<2x7680xi32, #tpu.memory_space<hbm>> -> memref<1x7680xi32, #tpu.memory_space<hbm>>
        %dma_start3A_123 = tpu.memref_squeeze %dma_start3A_122 : memref<1x7680xi32, #tpu.memory_space<hbm>> -> memref<7680xi32, #tpu.memory_space<hbm>>
        tpu.enqueue_dma source(%dma_start3A_123 : memref<7680xi32, #tpu.memory_space<hbm>>) target(%dma_start3A_120 : memref<7680xi32, #tpu.memory_space<vmem_shared>>) target_semaphore(%run_scoped3A_111 : memref<!tpu.dma_semaphore, #tpu.memory_space<semaphore_mem>>)
        %dma_wait3A = arith.constant 0 : i32
        %dma_wait3A_124 = arith.constant 0 : i32
        %dma_wait3A_125 = tpu.memref_slice %arg14[%run_scoped3A_110, %dma_wait3A, %dma_wait3A_124] : memref<2x16x10240xi32, #tpu.memory_space<vmem_shared>> -> memref<1x16x10240xi32, #tpu.memory_space<vmem_shared>>
        %dma_wait3A_126 = tpu.memref_squeeze %dma_wait3A_125 : memref<1x16x10240xi32, #tpu.memory_space<vmem_shared>> -> memref<16x10240xi32, #tpu.memory_space<vmem_shared>>
        %dma_wait3A_127 = arith.constant 0 : i32
        %dma_wait3A_128 = tpu.memref_slice %dma_wait3A_126[%arg1, %dma_wait3A_127] : memref<16x10240xi32, #tpu.memory_space<vmem_shared>> -> memref<1x10240xi32, #tpu.memory_space<vmem_shared>>
        %dma_wait3A_129 = tpu.memref_squeeze %dma_wait3A_128 : memref<1x10240xi32, #tpu.memory_space<vmem_shared>> -> memref<10240xi32, #tpu.memory_space<vmem_shared>>
        %dma_wait3A_130 = arith.constant 2560 : i32
        %dma_wait3A_131 = tpu.memref_slice %dma_wait3A_129[%dma_wait3A_130] : memref<10240xi32, #tpu.memory_space<vmem_shared>> -> memref<7680xi32, #tpu.memory_space<vmem_shared>>
        %dma_wait3A_132 = arith.constant 0 : i32
        %dma_wait3A_133 = tpu.memref_slice %arg4[%run_scoped3A_109, %dma_wait3A_132] : memref<2x7680xi32, #tpu.memory_space<hbm>> -> memref<1x7680xi32, #tpu.memory_space<hbm>>
        %dma_wait3A_134 = tpu.memref_squeeze %dma_wait3A_133 : memref<1x7680xi32, #tpu.memory_space<hbm>> -> memref<7680xi32, #tpu.memory_space<hbm>>
        tpu.wait_dma2 semaphore(%run_scoped3A_111 : memref<!tpu.dma_semaphore, #tpu.memory_space<semaphore_mem>>) src(%dma_wait3A_134 : memref<7680xi32, #tpu.memory_space<hbm>>) dst(%dma_wait3A_131 : memref<7680xi32, #tpu.memory_space<vmem_shared>>)
        tpu.yield
      }) : () -> ()
    } else {
    }
    %run_scoped3A_60 = arith.constant 0 : i32
    "tpu.region"() ({
      %run_scoped3A_103 = tpu.sem_alloc : memref<!tpu.dma_semaphore, #tpu.memory_space<semaphore_mem>>
      %dma_start3A_104 = arith.constant 0 : i32
      %dma_start3A_105 = arith.constant 0 : i32
      %dma_start3A_106 = tpu.memref_slice %arg14[%run_scoped3A_60, %dma_start3A_104, %dma_start3A_105] : memref<2x16x10240xi32, #tpu.memory_space<vmem_shared>> -> memref<1x16x10240xi32, #tpu.memory_space<vmem_shared>>
      %dma_start3A_107 = tpu.memref_squeeze %dma_start3A_106 : memref<1x16x10240xi32, #tpu.memory_space<vmem_shared>> -> memref<16x10240xi32, #tpu.memory_space<vmem_shared>>
      %dma_start3A_108 = arith.constant 0 : i32
      %dma_start3A_109 = tpu.memref_slice %dma_start3A_107[%arg1, %dma_start3A_108] : memref<16x10240xi32, #tpu.memory_space<vmem_shared>> -> memref<1x10240xi32, #tpu.memory_space<vmem_shared>>
      %dma_start3A_110 = tpu.memref_squeeze %dma_start3A_109 : memref<1x10240xi32, #tpu.memory_space<vmem_shared>> -> memref<10240xi32, #tpu.memory_space<vmem_shared>>
      %dma_start3A_111 = arith.constant 0 : i32
      %dma_start3A_112 = tpu.memref_slice %dma_start3A_110[%dma_start3A_111] : memref<10240xi32, #tpu.memory_space<vmem_shared>> -> memref<128xi32, #tpu.memory_space<vmem_shared>>
      %dma_start3A_113 = arith.constant 0 : i32
      %dma_start3A_114 = arith.constant 0 : i32
      %dma_start3A_115 = tpu.memref_slice %arg14[%run_scoped3A_60, %dma_start3A_113, %dma_start3A_114] : memref<2x16x10240xi32, #tpu.memory_space<vmem_shared>> -> memref<1x16x10240xi32, #tpu.memory_space<vmem_shared>>
      %dma_start3A_116 = tpu.memref_squeeze %dma_start3A_115 : memref<1x16x10240xi32, #tpu.memory_space<vmem_shared>> -> memref<16x10240xi32, #tpu.memory_space<vmem_shared>>
      %dma_start3A_117 = arith.constant 0 : i32
      %dma_start3A_118 = tpu.memref_slice %dma_start3A_116[%arg1, %dma_start3A_117] : memref<16x10240xi32, #tpu.memory_space<vmem_shared>> -> memref<1x10240xi32, #tpu.memory_space<vmem_shared>>
      %dma_start3A_119 = tpu.memref_squeeze %dma_start3A_118 : memref<1x10240xi32, #tpu.memory_space<vmem_shared>> -> memref<10240xi32, #tpu.memory_space<vmem_shared>>
      %dma_start3A_120 = arith.constant 0 : i32
      %dma_start3A_121 = tpu.memref_slice %dma_start3A_119[%dma_start3A_120] : memref<10240xi32, #tpu.memory_space<vmem_shared>> -> memref<128xi32, #tpu.memory_space<vmem_shared>>
      tpu.enqueue_dma source(%dma_start3A_121 : memref<128xi32, #tpu.memory_space<vmem_shared>>) target(%arg7 : memref<128xi32, #tpu.memory_space<vmem>>) target_semaphore(%run_scoped3A_103 : memref<!tpu.dma_semaphore, #tpu.memory_space<semaphore_mem>>)
      %dma_wait3A = arith.constant 0 : i32
      %dma_wait3A_122 = arith.constant 0 : i32
      %dma_wait3A_123 = tpu.memref_slice %arg14[%run_scoped3A_60, %dma_wait3A, %dma_wait3A_122] : memref<2x16x10240xi32, #tpu.memory_space<vmem_shared>> -> memref<1x16x10240xi32, #tpu.memory_space<vmem_shared>>
      %dma_wait3A_124 = tpu.memref_squeeze %dma_wait3A_123 : memref<1x16x10240xi32, #tpu.memory_space<vmem_shared>> -> memref<16x10240xi32, #tpu.memory_space<vmem_shared>>
      %dma_wait3A_125 = arith.constant 0 : i32
      %dma_wait3A_126 = tpu.memref_slice %dma_wait3A_124[%arg1, %dma_wait3A_125] : memref<16x10240xi32, #tpu.memory_space<vmem_shared>> -> memref<1x10240xi32, #tpu.memory_space<vmem_shared>>
      %dma_wait3A_127 = tpu.memref_squeeze %dma_wait3A_126 : memref<1x10240xi32, #tpu.memory_space<vmem_shared>> -> memref<10240xi32, #tpu.memory_space<vmem_shared>>
      %dma_wait3A_128 = arith.constant 0 : i32
      %dma_wait3A_129 = tpu.memref_slice %dma_wait3A_127[%dma_wait3A_128] : memref<10240xi32, #tpu.memory_space<vmem_shared>> -> memref<128xi32, #tpu.memory_space<vmem_shared>>
      %dma_wait3A_130 = arith.constant 0 : i32
      %dma_wait3A_131 = arith.constant 0 : i32
      %dma_wait3A_132 = tpu.memref_slice %arg14[%run_scoped3A_60, %dma_wait3A_130, %dma_wait3A_131] : memref<2x16x10240xi32, #tpu.memory_space<vmem_shared>> -> memref<1x16x10240xi32, #tpu.memory_space<vmem_shared>>
      %dma_wait3A_133 = tpu.memref_squeeze %dma_wait3A_132 : memref<1x16x10240xi32, #tpu.memory_space<vmem_shared>> -> memref<16x10240xi32, #tpu.memory_space<vmem_shared>>
      %dma_wait3A_134 = arith.constant 0 : i32
      %dma_wait3A_135 = tpu.memref_slice %dma_wait3A_133[%arg1, %dma_wait3A_134] : memref<16x10240xi32, #tpu.memory_space<vmem_shared>> -> memref<1x10240xi32, #tpu.memory_space<vmem_shared>>
      %dma_wait3A_136 = tpu.memref_squeeze %dma_wait3A_135 : memref<1x10240xi32, #tpu.memory_space<vmem_shared>> -> memref<10240xi32, #tpu.memory_space<vmem_shared>>
      %dma_wait3A_137 = arith.constant 0 : i32
      %dma_wait3A_138 = tpu.memref_slice %dma_wait3A_136[%dma_wait3A_137] : memref<10240xi32, #tpu.memory_space<vmem_shared>> -> memref<128xi32, #tpu.memory_space<vmem_shared>>
      tpu.wait_dma2 semaphore(%run_scoped3A_103 : memref<!tpu.dma_semaphore, #tpu.memory_space<semaphore_mem>>) src(%dma_wait3A_138 : memref<128xi32, #tpu.memory_space<vmem_shared>>) dst(%arg7 : memref<128xi32, #tpu.memory_space<vmem>>)
      tpu.yield
    }) : () -> ()
    %run_scoped3A_61 = arith.constant 1 : i32
    "tpu.region"() ({
      %run_scoped3A_103 = tpu.sem_alloc : memref<!tpu.dma_semaphore, #tpu.memory_space<semaphore_mem>>
      %dma_start3A_104 = arith.constant 0 : i32
      %dma_start3A_105 = arith.constant 0 : i32
      %dma_start3A_106 = tpu.memref_slice %arg14[%run_scoped3A_61, %dma_start3A_104, %dma_start3A_105] : memref<2x16x10240xi32, #tpu.memory_space<vmem_shared>> -> memref<1x16x10240xi32, #tpu.memory_space<vmem_shared>>
      %dma_start3A_107 = tpu.memref_squeeze %dma_start3A_106 : memref<1x16x10240xi32, #tpu.memory_space<vmem_shared>> -> memref<16x10240xi32, #tpu.memory_space<vmem_shared>>
      %dma_start3A_108 = arith.constant 0 : i32
      %dma_start3A_109 = tpu.memref_slice %dma_start3A_107[%arg1, %dma_start3A_108] : memref<16x10240xi32, #tpu.memory_space<vmem_shared>> -> memref<1x10240xi32, #tpu.memory_space<vmem_shared>>
      %dma_start3A_110 = tpu.memref_squeeze %dma_start3A_109 : memref<1x10240xi32, #tpu.memory_space<vmem_shared>> -> memref<10240xi32, #tpu.memory_space<vmem_shared>>
      %dma_start3A_111 = arith.constant 0 : i32
      %dma_start3A_112 = tpu.memref_slice %dma_start3A_110[%dma_start3A_111] : memref<10240xi32, #tpu.memory_space<vmem_shared>> -> memref<128xi32, #tpu.memory_space<vmem_shared>>
      %dma_start3A_113 = arith.constant 0 : i32
      %dma_start3A_114 = arith.constant 0 : i32
      %dma_start3A_115 = tpu.memref_slice %arg14[%run_scoped3A_61, %dma_start3A_113, %dma_start3A_114] : memref<2x16x10240xi32, #tpu.memory_space<vmem_shared>> -> memref<1x16x10240xi32, #tpu.memory_space<vmem_shared>>
      %dma_start3A_116 = tpu.memref_squeeze %dma_start3A_115 : memref<1x16x10240xi32, #tpu.memory_space<vmem_shared>> -> memref<16x10240xi32, #tpu.memory_space<vmem_shared>>
      %dma_start3A_117 = arith.constant 0 : i32
      %dma_start3A_118 = tpu.memref_slice %dma_start3A_116[%arg1, %dma_start3A_117] : memref<16x10240xi32, #tpu.memory_space<vmem_shared>> -> memref<1x10240xi32, #tpu.memory_space<vmem_shared>>
      %dma_start3A_119 = tpu.memref_squeeze %dma_start3A_118 : memref<1x10240xi32, #tpu.memory_space<vmem_shared>> -> memref<10240xi32, #tpu.memory_space<vmem_shared>>
      %dma_start3A_120 = arith.constant 0 : i32
      %dma_start3A_121 = tpu.memref_slice %dma_start3A_119[%dma_start3A_120] : memref<10240xi32, #tpu.memory_space<vmem_shared>> -> memref<128xi32, #tpu.memory_space<vmem_shared>>
      tpu.enqueue_dma source(%dma_start3A_121 : memref<128xi32, #tpu.memory_space<vmem_shared>>) target(%arg9 : memref<128xi32, #tpu.memory_space<vmem>>) target_semaphore(%run_scoped3A_103 : memref<!tpu.dma_semaphore, #tpu.memory_space<semaphore_mem>>)
      %dma_wait3A = arith.constant 0 : i32
      %dma_wait3A_122 = arith.constant 0 : i32
      %dma_wait3A_123 = tpu.memref_slice %arg14[%run_scoped3A_61, %dma_wait3A, %dma_wait3A_122] : memref<2x16x10240xi32, #tpu.memory_space<vmem_shared>> -> memref<1x16x10240xi32, #tpu.memory_space<vmem_shared>>
      %dma_wait3A_124 = tpu.memref_squeeze %dma_wait3A_123 : memref<1x16x10240xi32, #tpu.memory_space<vmem_shared>> -> memref<16x10240xi32, #tpu.memory_space<vmem_shared>>
      %dma_wait3A_125 = arith.constant 0 : i32
      %dma_wait3A_126 = tpu.memref_slice %dma_wait3A_124[%arg1, %dma_wait3A_125] : memref<16x10240xi32, #tpu.memory_space<vmem_shared>> -> memref<1x10240xi32, #tpu.memory_space<vmem_shared>>
      %dma_wait3A_127 = tpu.memref_squeeze %dma_wait3A_126 : memref<1x10240xi32, #tpu.memory_space<vmem_shared>> -> memref<10240xi32, #tpu.memory_space<vmem_shared>>
      %dma_wait3A_128 = arith.constant 0 : i32
      %dma_wait3A_129 = tpu.memref_slice %dma_wait3A_127[%dma_wait3A_128] : memref<10240xi32, #tpu.memory_space<vmem_shared>> -> memref<128xi32, #tpu.memory_space<vmem_shared>>
      %dma_wait3A_130 = arith.constant 0 : i32
      %dma_wait3A_131 = arith.constant 0 : i32
      %dma_wait3A_132 = tpu.memref_slice %arg14[%run_scoped3A_61, %dma_wait3A_130, %dma_wait3A_131] : memref<2x16x10240xi32, #tpu.memory_space<vmem_shared>> -> memref<1x16x10240xi32, #tpu.memory_space<vmem_shared>>
      %dma_wait3A_133 = tpu.memref_squeeze %dma_wait3A_132 : memref<1x16x10240xi32, #tpu.memory_space<vmem_shared>> -> memref<16x10240xi32, #tpu.memory_space<vmem_shared>>
      %dma_wait3A_134 = arith.constant 0 : i32
      %dma_wait3A_135 = tpu.memref_slice %dma_wait3A_133[%arg1, %dma_wait3A_134] : memref<16x10240xi32, #tpu.memory_space<vmem_shared>> -> memref<1x10240xi32, #tpu.memory_space<vmem_shared>>
      %dma_wait3A_136 = tpu.memref_squeeze %dma_wait3A_135 : memref<1x10240xi32, #tpu.memory_space<vmem_shared>> -> memref<10240xi32, #tpu.memory_space<vmem_shared>>
      %dma_wait3A_137 = arith.constant 0 : i32
      %dma_wait3A_138 = tpu.memref_slice %dma_wait3A_136[%dma_wait3A_137] : memref<10240xi32, #tpu.memory_space<vmem_shared>> -> memref<128xi32, #tpu.memory_space<vmem_shared>>
      tpu.wait_dma2 semaphore(%run_scoped3A_103 : memref<!tpu.dma_semaphore, #tpu.memory_space<semaphore_mem>>) src(%dma_wait3A_138 : memref<128xi32, #tpu.memory_space<vmem_shared>>) dst(%arg9 : memref<128xi32, #tpu.memory_space<vmem>>)
      tpu.yield
    }) : () -> ()
    %dma_start3A_62 = arith.constant 0 : i32
    %dma_start3A_63 = arith.constant 0 : i32
    %dma_start3A_64 = tpu.memref_slice %arg15[%dma_start3A_62, %dma_start3A_63] : memref<10000x64xf32, #tpu.memory_space<vmem_shared>> -> memref<10000x64xf32, #tpu.memory_space<vmem_shared>>
    tpu.enqueue_indirect_dma source(%dma_start3A_64 : memref<10000x64xf32, #tpu.memory_space<vmem_shared>>) target(%arg11 : memref<128x64xf32, #tpu.memory_space<vmem>>) offsets(%arg7 : memref<128xi32, #tpu.memory_space<vmem>>) semaphore(%arg17 : memref<!tpu.dma_semaphore, #tpu.memory_space<semaphore_mem>>)
    %scan3A_65 = arith.constant 0 : i32
    %scan3A_66 = arith.constant 0 : i32
    %scan3A_67 = arith.constant 40 : i32
    %scan3A_68 = arith.addi %scan3A_66, %scan3A_67 : i32
    %scan3A_69 = arith.constant 1 : i32
    scf.for %scan3A_103 = %scan3A_66 to %scan3A_68 step %scan3A_69  : i32 {
      %mul3A_104 = arith.constant 2 : i32
      %mul3A_105 = arith.muli %mul3A_104, %scan3A_103 : i32
      %add3A_106 = arith.constant 0 : i32
      %add3A_107 = arith.addi %mul3A_105, %add3A_106 : i32
      %dma_wait3A = arith.constant 0 : i32
      %dma_wait3A_108 = arith.constant 0 : i32
      %dma_wait3A_109 = tpu.memref_slice %arg15[%dma_wait3A, %dma_wait3A_108] : memref<10000x64xf32, #tpu.memory_space<vmem_shared>> -> memref<10000x64xf32, #tpu.memory_space<vmem_shared>>
      tpu.wait_indirect_dma semaphore(%arg17 : memref<!tpu.dma_semaphore, #tpu.memory_space<semaphore_mem>>) src(%dma_wait3A_109 : memref<10000x64xf32, #tpu.memory_space<vmem_shared>>) dst(%arg11 : memref<128x64xf32, #tpu.memory_space<vmem>>)
      %add3A_110 = arith.constant 1 : i32
      %add3A_111 = arith.addi %add3A_107, %add3A_110 : i32
      %mul3A_112 = arith.constant 128 : i32
      %mul3A_113 = arith.muli %add3A_111, %mul3A_112 : i32
      %multiple_of3A_114 = tpu.assume_multiple %mul3A_113, 8 : i32
      %run_scoped3A_115 = arith.constant 0 : i32
      "tpu.region"() ({
        %run_scoped3A_132 = tpu.sem_alloc : memref<!tpu.dma_semaphore, #tpu.memory_space<semaphore_mem>>
        %dma_start3A_133 = arith.constant 0 : i32
        %dma_start3A_134 = arith.constant 0 : i32
        %dma_start3A_135 = tpu.memref_slice %arg14[%run_scoped3A_115, %dma_start3A_133, %dma_start3A_134] : memref<2x16x10240xi32, #tpu.memory_space<vmem_shared>> -> memref<1x16x10240xi32, #tpu.memory_space<vmem_shared>>
        %dma_start3A_136 = tpu.memref_squeeze %dma_start3A_135 : memref<1x16x10240xi32, #tpu.memory_space<vmem_shared>> -> memref<16x10240xi32, #tpu.memory_space<vmem_shared>>
        %dma_start3A_137 = arith.constant 0 : i32
        %dma_start3A_138 = tpu.memref_slice %dma_start3A_136[%arg1, %dma_start3A_137] : memref<16x10240xi32, #tpu.memory_space<vmem_shared>> -> memref<1x10240xi32, #tpu.memory_space<vmem_shared>>
        %dma_start3A_139 = tpu.memref_squeeze %dma_start3A_138 : memref<1x10240xi32, #tpu.memory_space<vmem_shared>> -> memref<10240xi32, #tpu.memory_space<vmem_shared>>
        %dma_start3A_140 = tpu.memref_slice %dma_start3A_139[%multiple_of3A_114] : memref<10240xi32, #tpu.memory_space<vmem_shared>> -> memref<128xi32, #tpu.memory_space<vmem_shared>>
        %dma_start3A_141 = arith.constant 0 : i32
        %dma_start3A_142 = arith.constant 0 : i32
        %dma_start3A_143 = tpu.memref_slice %arg14[%run_scoped3A_115, %dma_start3A_141, %dma_start3A_142] : memref<2x16x10240xi32, #tpu.memory_space<vmem_shared>> -> memref<1x16x10240xi32, #tpu.memory_space<vmem_shared>>
        %dma_start3A_144 = tpu.memref_squeeze %dma_start3A_143 : memref<1x16x10240xi32, #tpu.memory_space<vmem_shared>> -> memref<16x10240xi32, #tpu.memory_space<vmem_shared>>
        %dma_start3A_145 = arith.constant 0 : i32
        %dma_start3A_146 = tpu.memref_slice %dma_start3A_144[%arg1, %dma_start3A_145] : memref<16x10240xi32, #tpu.memory_space<vmem_shared>> -> memref<1x10240xi32, #tpu.memory_space<vmem_shared>>
        %dma_start3A_147 = tpu.memref_squeeze %dma_start3A_146 : memref<1x10240xi32, #tpu.memory_space<vmem_shared>> -> memref<10240xi32, #tpu.memory_space<vmem_shared>>
        %dma_start3A_148 = tpu.memref_slice %dma_start3A_147[%multiple_of3A_114] : memref<10240xi32, #tpu.memory_space<vmem_shared>> -> memref<128xi32, #tpu.memory_space<vmem_shared>>
        tpu.enqueue_dma source(%dma_start3A_148 : memref<128xi32, #tpu.memory_space<vmem_shared>>) target(%arg8 : memref<128xi32, #tpu.memory_space<vmem>>) target_semaphore(%run_scoped3A_132 : memref<!tpu.dma_semaphore, #tpu.memory_space<semaphore_mem>>)
        %dma_wait3A_149 = arith.constant 0 : i32
        %dma_wait3A_150 = arith.constant 0 : i32
        %dma_wait3A_151 = tpu.memref_slice %arg14[%run_scoped3A_115, %dma_wait3A_149, %dma_wait3A_150] : memref<2x16x10240xi32, #tpu.memory_space<vmem_shared>> -> memref<1x16x10240xi32, #tpu.memory_space<vmem_shared>>
        %dma_wait3A_152 = tpu.memref_squeeze %dma_wait3A_151 : memref<1x16x10240xi32, #tpu.memory_space<vmem_shared>> -> memref<16x10240xi32, #tpu.memory_space<vmem_shared>>
        %dma_wait3A_153 = arith.constant 0 : i32
        %dma_wait3A_154 = tpu.memref_slice %dma_wait3A_152[%arg1, %dma_wait3A_153] : memref<16x10240xi32, #tpu.memory_space<vmem_shared>> -> memref<1x10240xi32, #tpu.memory_space<vmem_shared>>
        %dma_wait3A_155 = tpu.memref_squeeze %dma_wait3A_154 : memref<1x10240xi32, #tpu.memory_space<vmem_shared>> -> memref<10240xi32, #tpu.memory_space<vmem_shared>>
        %dma_wait3A_156 = tpu.memref_slice %dma_wait3A_155[%multiple_of3A_114] : memref<10240xi32, #tpu.memory_space<vmem_shared>> -> memref<128xi32, #tpu.memory_space<vmem_shared>>
        %dma_wait3A_157 = arith.constant 0 : i32
        %dma_wait3A_158 = arith.constant 0 : i32
        %dma_wait3A_159 = tpu.memref_slice %arg14[%run_scoped3A_115, %dma_wait3A_157, %dma_wait3A_158] : memref<2x16x10240xi32, #tpu.memory_space<vmem_shared>> -> memref<1x16x10240xi32, #tpu.memory_space<vmem_shared>>
        %dma_wait3A_160 = tpu.memref_squeeze %dma_wait3A_159 : memref<1x16x10240xi32, #tpu.memory_space<vmem_shared>> -> memref<16x10240xi32, #tpu.memory_space<vmem_shared>>
        %dma_wait3A_161 = arith.constant 0 : i32
        %dma_wait3A_162 = tpu.memref_slice %dma_wait3A_160[%arg1, %dma_wait3A_161] : memref<16x10240xi32, #tpu.memory_space<vmem_shared>> -> memref<1x10240xi32, #tpu.memory_space<vmem_shared>>
        %dma_wait3A_163 = tpu.memref_squeeze %dma_wait3A_162 : memref<1x10240xi32, #tpu.memory_space<vmem_shared>> -> memref<10240xi32, #tpu.memory_space<vmem_shared>>
        %dma_wait3A_164 = tpu.memref_slice %dma_wait3A_163[%multiple_of3A_114] : memref<10240xi32, #tpu.memory_space<vmem_shared>> -> memref<128xi32, #tpu.memory_space<vmem_shared>>
        tpu.wait_dma2 semaphore(%run_scoped3A_132 : memref<!tpu.dma_semaphore, #tpu.memory_space<semaphore_mem>>) src(%dma_wait3A_164 : memref<128xi32, #tpu.memory_space<vmem_shared>>) dst(%arg8 : memref<128xi32, #tpu.memory_space<vmem>>)
        tpu.yield
      }) : () -> ()
      %run_scoped3A_116 = arith.constant 1 : i32
      "tpu.region"() ({
        %run_scoped3A_132 = tpu.sem_alloc : memref<!tpu.dma_semaphore, #tpu.memory_space<semaphore_mem>>
        %dma_start3A_133 = arith.constant 0 : i32
        %dma_start3A_134 = arith.constant 0 : i32
        %dma_start3A_135 = tpu.memref_slice %arg14[%run_scoped3A_116, %dma_start3A_133, %dma_start3A_134] : memref<2x16x10240xi32, #tpu.memory_space<vmem_shared>> -> memref<1x16x10240xi32, #tpu.memory_space<vmem_shared>>
        %dma_start3A_136 = tpu.memref_squeeze %dma_start3A_135 : memref<1x16x10240xi32, #tpu.memory_space<vmem_shared>> -> memref<16x10240xi32, #tpu.memory_space<vmem_shared>>
        %dma_start3A_137 = arith.constant 0 : i32
        %dma_start3A_138 = tpu.memref_slice %dma_start3A_136[%arg1, %dma_start3A_137] : memref<16x10240xi32, #tpu.memory_space<vmem_shared>> -> memref<1x10240xi32, #tpu.memory_space<vmem_shared>>
        %dma_start3A_139 = tpu.memref_squeeze %dma_start3A_138 : memref<1x10240xi32, #tpu.memory_space<vmem_shared>> -> memref<10240xi32, #tpu.memory_space<vmem_shared>>
        %dma_start3A_140 = tpu.memref_slice %dma_start3A_139[%multiple_of3A_114] : memref<10240xi32, #tpu.memory_space<vmem_shared>> -> memref<128xi32, #tpu.memory_space<vmem_shared>>
        %dma_start3A_141 = arith.constant 0 : i32
        %dma_start3A_142 = arith.constant 0 : i32
        %dma_start3A_143 = tpu.memref_slice %arg14[%run_scoped3A_116, %dma_start3A_141, %dma_start3A_142] : memref<2x16x10240xi32, #tpu.memory_space<vmem_shared>> -> memref<1x16x10240xi32, #tpu.memory_space<vmem_shared>>
        %dma_start3A_144 = tpu.memref_squeeze %dma_start3A_143 : memref<1x16x10240xi32, #tpu.memory_space<vmem_shared>> -> memref<16x10240xi32, #tpu.memory_space<vmem_shared>>
        %dma_start3A_145 = arith.constant 0 : i32
        %dma_start3A_146 = tpu.memref_slice %dma_start3A_144[%arg1, %dma_start3A_145] : memref<16x10240xi32, #tpu.memory_space<vmem_shared>> -> memref<1x10240xi32, #tpu.memory_space<vmem_shared>>
        %dma_start3A_147 = tpu.memref_squeeze %dma_start3A_146 : memref<1x10240xi32, #tpu.memory_space<vmem_shared>> -> memref<10240xi32, #tpu.memory_space<vmem_shared>>
        %dma_start3A_148 = tpu.memref_slice %dma_start3A_147[%multiple_of3A_114] : memref<10240xi32, #tpu.memory_space<vmem_shared>> -> memref<128xi32, #tpu.memory_space<vmem_shared>>
        tpu.enqueue_dma source(%dma_start3A_148 : memref<128xi32, #tpu.memory_space<vmem_shared>>) target(%arg10 : memref<128xi32, #tpu.memory_space<vmem>>) target_semaphore(%run_scoped3A_132 : memref<!tpu.dma_semaphore, #tpu.memory_space<semaphore_mem>>)
        %dma_wait3A_149 = arith.constant 0 : i32
        %dma_wait3A_150 = arith.constant 0 : i32
        %dma_wait3A_151 = tpu.memref_slice %arg14[%run_scoped3A_116, %dma_wait3A_149, %dma_wait3A_150] : memref<2x16x10240xi32, #tpu.memory_space<vmem_shared>> -> memref<1x16x10240xi32, #tpu.memory_space<vmem_shared>>
        %dma_wait3A_152 = tpu.memref_squeeze %dma_wait3A_151 : memref<1x16x10240xi32, #tpu.memory_space<vmem_shared>> -> memref<16x10240xi32, #tpu.memory_space<vmem_shared>>
        %dma_wait3A_153 = arith.constant 0 : i32
        %dma_wait3A_154 = tpu.memref_slice %dma_wait3A_152[%arg1, %dma_wait3A_153] : memref<16x10240xi32, #tpu.memory_space<vmem_shared>> -> memref<1x10240xi32, #tpu.memory_space<vmem_shared>>
        %dma_wait3A_155 = tpu.memref_squeeze %dma_wait3A_154 : memref<1x10240xi32, #tpu.memory_space<vmem_shared>> -> memref<10240xi32, #tpu.memory_space<vmem_shared>>
        %dma_wait3A_156 = tpu.memref_slice %dma_wait3A_155[%multiple_of3A_114] : memref<10240xi32, #tpu.memory_space<vmem_shared>> -> memref<128xi32, #tpu.memory_space<vmem_shared>>
        %dma_wait3A_157 = arith.constant 0 : i32
        %dma_wait3A_158 = arith.constant 0 : i32
        %dma_wait3A_159 = tpu.memref_slice %arg14[%run_scoped3A_116, %dma_wait3A_157, %dma_wait3A_158] : memref<2x16x10240xi32, #tpu.memory_space<vmem_shared>> -> memref<1x16x10240xi32, #tpu.memory_space<vmem_shared>>
        %dma_wait3A_160 = tpu.memref_squeeze %dma_wait3A_159 : memref<1x16x10240xi32, #tpu.memory_space<vmem_shared>> -> memref<16x10240xi32, #tpu.memory_space<vmem_shared>>
        %dma_wait3A_161 = arith.constant 0 : i32
        %dma_wait3A_162 = tpu.memref_slice %dma_wait3A_160[%arg1, %dma_wait3A_161] : memref<16x10240xi32, #tpu.memory_space<vmem_shared>> -> memref<1x10240xi32, #tpu.memory_space<vmem_shared>>
        %dma_wait3A_163 = tpu.memref_squeeze %dma_wait3A_162 : memref<1x10240xi32, #tpu.memory_space<vmem_shared>> -> memref<10240xi32, #tpu.memory_space<vmem_shared>>
        %dma_wait3A_164 = tpu.memref_slice %dma_wait3A_163[%multiple_of3A_114] : memref<10240xi32, #tpu.memory_space<vmem_shared>> -> memref<128xi32, #tpu.memory_space<vmem_shared>>
        tpu.wait_dma2 semaphore(%run_scoped3A_132 : memref<!tpu.dma_semaphore, #tpu.memory_space<semaphore_mem>>) src(%dma_wait3A_164 : memref<128xi32, #tpu.memory_space<vmem_shared>>) dst(%arg10 : memref<128xi32, #tpu.memory_space<vmem>>)
        tpu.yield
      }) : () -> ()
      %dma_start3A_117 = arith.constant 0 : i32
      %dma_start3A_118 = arith.constant 0 : i32
      %dma_start3A_119 = tpu.memref_slice %arg15[%dma_start3A_117, %dma_start3A_118] : memref<10000x64xf32, #tpu.memory_space<vmem_shared>> -> memref<10000x64xf32, #tpu.memory_space<vmem_shared>>
      tpu.enqueue_indirect_dma source(%dma_start3A_119 : memref<10000x64xf32, #tpu.memory_space<vmem_shared>>) target(%arg12 : memref<128x64xf32, #tpu.memory_space<vmem>>) offsets(%arg8 : memref<128xi32, #tpu.memory_space<vmem>>) semaphore(%arg17 : memref<!tpu.dma_semaphore, #tpu.memory_space<semaphore_mem>>)
      "tpu.region"() ({
        %run_scoped3A_132 = tpu.sem_alloc : memref<!tpu.dma_semaphore, #tpu.memory_space<semaphore_mem>>
        %dma_start3A_133 = arith.constant 0 : i32
        %dma_start3A_134 = arith.constant 0 : i32
        %dma_start3A_135 = tpu.memref_slice %arg16[%dma_start3A_133, %dma_start3A_134] : memref<10112x64xf32, #tpu.memory_space<vmem_shared>> -> memref<10112x64xf32, #tpu.memory_space<vmem_shared>>
        tpu.enqueue_indirect_dma source(%arg11 : memref<128x64xf32, #tpu.memory_space<vmem>>) target(%dma_start3A_135 : memref<10112x64xf32, #tpu.memory_space<vmem_shared>>) offsets(%arg9 : memref<128xi32, #tpu.memory_space<vmem>>) semaphore(%run_scoped3A_132 : memref<!tpu.dma_semaphore, #tpu.memory_space<semaphore_mem>>) {add = true}
        %dma_wait3A_136 = arith.constant 0 : i32
        %dma_wait3A_137 = arith.constant 0 : i32
        %dma_wait3A_138 = tpu.memref_slice %arg16[%dma_wait3A_136, %dma_wait3A_137] : memref<10112x64xf32, #tpu.memory_space<vmem_shared>> -> memref<10112x64xf32, #tpu.memory_space<vmem_shared>>
        tpu.wait_indirect_dma semaphore(%run_scoped3A_132 : memref<!tpu.dma_semaphore, #tpu.memory_space<semaphore_mem>>) src(%arg11 : memref<128x64xf32, #tpu.memory_space<vmem>>) dst(%dma_wait3A_138 : memref<10112x64xf32, #tpu.memory_space<vmem_shared>>)
        tpu.yield
      }) : () -> ()
      %mul3A_120 = arith.constant 2 : i32
      %mul3A_121 = arith.muli %mul3A_120, %scan3A_103 : i32
      %add3A_122 = arith.constant 1 : i32
      %add3A_123 = arith.addi %mul3A_121, %add3A_122 : i32
      %dma_wait3A_124 = arith.constant 0 : i32
      %dma_wait3A_125 = arith.constant 0 : i32
      %dma_wait3A_126 = tpu.memref_slice %arg15[%dma_wait3A_124, %dma_wait3A_125] : memref<10000x64xf32, #tpu.memory_space<vmem_shared>> -> memref<10000x64xf32, #tpu.memory_space<vmem_shared>>
      tpu.wait_indirect_dma semaphore(%arg17 : memref<!tpu.dma_semaphore, #tpu.memory_space<semaphore_mem>>) src(%dma_wait3A_126 : memref<10000x64xf32, #tpu.memory_space<vmem_shared>>) dst(%arg12 : memref<128x64xf32, #tpu.memory_space<vmem>>)
      %lt3A_127 = arith.constant 39 : i32
      %lt3A_128 = arith.cmpi slt, %scan3A_103, %lt3A_127 : i32
      %convert_element_type3A_129 = arith.extui %lt3A_128 : i1 to i32
      %cond3A_130 = arith.constant 0 : i32
      %cond3A_131 = arith.cmpi ne, %convert_element_type3A_129, %cond3A_130 : i32
      scf.if %cond3A_131 {
        %add3A_132 = arith.constant 1 : i32
        %add3A_133 = arith.addi %add3A_123, %add3A_132 : i32
        %mul3A_134 = arith.constant 128 : i32
        %mul3A_135 = arith.muli %add3A_133, %mul3A_134 : i32
        %multiple_of3A_136 = tpu.assume_multiple %mul3A_135, 8 : i32
        %run_scoped3A_137 = arith.constant 0 : i32
        "tpu.region"() ({
          %run_scoped3A_142 = tpu.sem_alloc : memref<!tpu.dma_semaphore, #tpu.memory_space<semaphore_mem>>
          %dma_start3A_143 = arith.constant 0 : i32
          %dma_start3A_144 = arith.constant 0 : i32
          %dma_start3A_145 = tpu.memref_slice %arg14[%run_scoped3A_137, %dma_start3A_143, %dma_start3A_144] : memref<2x16x10240xi32, #tpu.memory_space<vmem_shared>> -> memref<1x16x10240xi32, #tpu.memory_space<vmem_shared>>
          %dma_start3A_146 = tpu.memref_squeeze %dma_start3A_145 : memref<1x16x10240xi32, #tpu.memory_space<vmem_shared>> -> memref<16x10240xi32, #tpu.memory_space<vmem_shared>>
          %dma_start3A_147 = arith.constant 0 : i32
          %dma_start3A_148 = tpu.memref_slice %dma_start3A_146[%arg1, %dma_start3A_147] : memref<16x10240xi32, #tpu.memory_space<vmem_shared>> -> memref<1x10240xi32, #tpu.memory_space<vmem_shared>>
          %dma_start3A_149 = tpu.memref_squeeze %dma_start3A_148 : memref<1x10240xi32, #tpu.memory_space<vmem_shared>> -> memref<10240xi32, #tpu.memory_space<vmem_shared>>
          %dma_start3A_150 = tpu.memref_slice %dma_start3A_149[%multiple_of3A_136] : memref<10240xi32, #tpu.memory_space<vmem_shared>> -> memref<128xi32, #tpu.memory_space<vmem_shared>>
          %dma_start3A_151 = arith.constant 0 : i32
          %dma_start3A_152 = arith.constant 0 : i32
          %dma_start3A_153 = tpu.memref_slice %arg14[%run_scoped3A_137, %dma_start3A_151, %dma_start3A_152] : memref<2x16x10240xi32, #tpu.memory_space<vmem_shared>> -> memref<1x16x10240xi32, #tpu.memory_space<vmem_shared>>
          %dma_start3A_154 = tpu.memref_squeeze %dma_start3A_153 : memref<1x16x10240xi32, #tpu.memory_space<vmem_shared>> -> memref<16x10240xi32, #tpu.memory_space<vmem_shared>>
          %dma_start3A_155 = arith.constant 0 : i32
          %dma_start3A_156 = tpu.memref_slice %dma_start3A_154[%arg1, %dma_start3A_155] : memref<16x10240xi32, #tpu.memory_space<vmem_shared>> -> memref<1x10240xi32, #tpu.memory_space<vmem_shared>>
          %dma_start3A_157 = tpu.memref_squeeze %dma_start3A_156 : memref<1x10240xi32, #tpu.memory_space<vmem_shared>> -> memref<10240xi32, #tpu.memory_space<vmem_shared>>
          %dma_start3A_158 = tpu.memref_slice %dma_start3A_157[%multiple_of3A_136] : memref<10240xi32, #tpu.memory_space<vmem_shared>> -> memref<128xi32, #tpu.memory_space<vmem_shared>>
          tpu.enqueue_dma source(%dma_start3A_158 : memref<128xi32, #tpu.memory_space<vmem_shared>>) target(%arg7 : memref<128xi32, #tpu.memory_space<vmem>>) target_semaphore(%run_scoped3A_142 : memref<!tpu.dma_semaphore, #tpu.memory_space<semaphore_mem>>)
          %dma_wait3A_159 = arith.constant 0 : i32
          %dma_wait3A_160 = arith.constant 0 : i32
          %dma_wait3A_161 = tpu.memref_slice %arg14[%run_scoped3A_137, %dma_wait3A_159, %dma_wait3A_160] : memref<2x16x10240xi32, #tpu.memory_space<vmem_shared>> -> memref<1x16x10240xi32, #tpu.memory_space<vmem_shared>>
          %dma_wait3A_162 = tpu.memref_squeeze %dma_wait3A_161 : memref<1x16x10240xi32, #tpu.memory_space<vmem_shared>> -> memref<16x10240xi32, #tpu.memory_space<vmem_shared>>
          %dma_wait3A_163 = arith.constant 0 : i32
          %dma_wait3A_164 = tpu.memref_slice %dma_wait3A_162[%arg1, %dma_wait3A_163] : memref<16x10240xi32, #tpu.memory_space<vmem_shared>> -> memref<1x10240xi32, #tpu.memory_space<vmem_shared>>
          %dma_wait3A_165 = tpu.memref_squeeze %dma_wait3A_164 : memref<1x10240xi32, #tpu.memory_space<vmem_shared>> -> memref<10240xi32, #tpu.memory_space<vmem_shared>>
          %dma_wait3A_166 = tpu.memref_slice %dma_wait3A_165[%multiple_of3A_136] : memref<10240xi32, #tpu.memory_space<vmem_shared>> -> memref<128xi32, #tpu.memory_space<vmem_shared>>
          %dma_wait3A_167 = arith.constant 0 : i32
          %dma_wait3A_168 = arith.constant 0 : i32
          %dma_wait3A_169 = tpu.memref_slice %arg14[%run_scoped3A_137, %dma_wait3A_167, %dma_wait3A_168] : memref<2x16x10240xi32, #tpu.memory_space<vmem_shared>> -> memref<1x16x10240xi32, #tpu.memory_space<vmem_shared>>
          %dma_wait3A_170 = tpu.memref_squeeze %dma_wait3A_169 : memref<1x16x10240xi32, #tpu.memory_space<vmem_shared>> -> memref<16x10240xi32, #tpu.memory_space<vmem_shared>>
          %dma_wait3A_171 = arith.constant 0 : i32
          %dma_wait3A_172 = tpu.memref_slice %dma_wait3A_170[%arg1, %dma_wait3A_171] : memref<16x10240xi32, #tpu.memory_space<vmem_shared>> -> memref<1x10240xi32, #tpu.memory_space<vmem_shared>>
          %dma_wait3A_173 = tpu.memref_squeeze %dma_wait3A_172 : memref<1x10240xi32, #tpu.memory_space<vmem_shared>> -> memref<10240xi32, #tpu.memory_space<vmem_shared>>
          %dma_wait3A_174 = tpu.memref_slice %dma_wait3A_173[%multiple_of3A_136] : memref<10240xi32, #tpu.memory_space<vmem_shared>> -> memref<128xi32, #tpu.memory_space<vmem_shared>>
          tpu.wait_dma2 semaphore(%run_scoped3A_142 : memref<!tpu.dma_semaphore, #tpu.memory_space<semaphore_mem>>) src(%dma_wait3A_174 : memref<128xi32, #tpu.memory_space<vmem_shared>>) dst(%arg7 : memref<128xi32, #tpu.memory_space<vmem>>)
          tpu.yield
        }) : () -> ()
        %run_scoped3A_138 = arith.constant 1 : i32
        "tpu.region"() ({
          %run_scoped3A_142 = tpu.sem_alloc : memref<!tpu.dma_semaphore, #tpu.memory_space<semaphore_mem>>
          %dma_start3A_143 = arith.constant 0 : i32
          %dma_start3A_144 = arith.constant 0 : i32
          %dma_start3A_145 = tpu.memref_slice %arg14[%run_scoped3A_138, %dma_start3A_143, %dma_start3A_144] : memref<2x16x10240xi32, #tpu.memory_space<vmem_shared>> -> memref<1x16x10240xi32, #tpu.memory_space<vmem_shared>>
          %dma_start3A_146 = tpu.memref_squeeze %dma_start3A_145 : memref<1x16x10240xi32, #tpu.memory_space<vmem_shared>> -> memref<16x10240xi32, #tpu.memory_space<vmem_shared>>
          %dma_start3A_147 = arith.constant 0 : i32
          %dma_start3A_148 = tpu.memref_slice %dma_start3A_146[%arg1, %dma_start3A_147] : memref<16x10240xi32, #tpu.memory_space<vmem_shared>> -> memref<1x10240xi32, #tpu.memory_space<vmem_shared>>
          %dma_start3A_149 = tpu.memref_squeeze %dma_start3A_148 : memref<1x10240xi32, #tpu.memory_space<vmem_shared>> -> memref<10240xi32, #tpu.memory_space<vmem_shared>>
          %dma_start3A_150 = tpu.memref_slice %dma_start3A_149[%multiple_of3A_136] : memref<10240xi32, #tpu.memory_space<vmem_shared>> -> memref<128xi32, #tpu.memory_space<vmem_shared>>
          %dma_start3A_151 = arith.constant 0 : i32
          %dma_start3A_152 = arith.constant 0 : i32
          %dma_start3A_153 = tpu.memref_slice %arg14[%run_scoped3A_138, %dma_start3A_151, %dma_start3A_152] : memref<2x16x10240xi32, #tpu.memory_space<vmem_shared>> -> memref<1x16x10240xi32, #tpu.memory_space<vmem_shared>>
          %dma_start3A_154 = tpu.memref_squeeze %dma_start3A_153 : memref<1x16x10240xi32, #tpu.memory_space<vmem_shared>> -> memref<16x10240xi32, #tpu.memory_space<vmem_shared>>
          %dma_start3A_155 = arith.constant 0 : i32
          %dma_start3A_156 = tpu.memref_slice %dma_start3A_154[%arg1, %dma_start3A_155] : memref<16x10240xi32, #tpu.memory_space<vmem_shared>> -> memref<1x10240xi32, #tpu.memory_space<vmem_shared>>
          %dma_start3A_157 = tpu.memref_squeeze %dma_start3A_156 : memref<1x10240xi32, #tpu.memory_space<vmem_shared>> -> memref<10240xi32, #tpu.memory_space<vmem_shared>>
          %dma_start3A_158 = tpu.memref_slice %dma_start3A_157[%multiple_of3A_136] : memref<10240xi32, #tpu.memory_space<vmem_shared>> -> memref<128xi32, #tpu.memory_space<vmem_shared>>
          tpu.enqueue_dma source(%dma_start3A_158 : memref<128xi32, #tpu.memory_space<vmem_shared>>) target(%arg9 : memref<128xi32, #tpu.memory_space<vmem>>) target_semaphore(%run_scoped3A_142 : memref<!tpu.dma_semaphore, #tpu.memory_space<semaphore_mem>>)
          %dma_wait3A_159 = arith.constant 0 : i32
          %dma_wait3A_160 = arith.constant 0 : i32
          %dma_wait3A_161 = tpu.memref_slice %arg14[%run_scoped3A_138, %dma_wait3A_159, %dma_wait3A_160] : memref<2x16x10240xi32, #tpu.memory_space<vmem_shared>> -> memref<1x16x10240xi32, #tpu.memory_space<vmem_shared>>
          %dma_wait3A_162 = tpu.memref_squeeze %dma_wait3A_161 : memref<1x16x10240xi32, #tpu.memory_space<vmem_shared>> -> memref<16x10240xi32, #tpu.memory_space<vmem_shared>>
          %dma_wait3A_163 = arith.constant 0 : i32
          %dma_wait3A_164 = tpu.memref_slice %dma_wait3A_162[%arg1, %dma_wait3A_163] : memref<16x10240xi32, #tpu.memory_space<vmem_shared>> -> memref<1x10240xi32, #tpu.memory_space<vmem_shared>>
          %dma_wait3A_165 = tpu.memref_squeeze %dma_wait3A_164 : memref<1x10240xi32, #tpu.memory_space<vmem_shared>> -> memref<10240xi32, #tpu.memory_space<vmem_shared>>
          %dma_wait3A_166 = tpu.memref_slice %dma_wait3A_165[%multiple_of3A_136] : memref<10240xi32, #tpu.memory_space<vmem_shared>> -> memref<128xi32, #tpu.memory_space<vmem_shared>>
          %dma_wait3A_167 = arith.constant 0 : i32
          %dma_wait3A_168 = arith.constant 0 : i32
          %dma_wait3A_169 = tpu.memref_slice %arg14[%run_scoped3A_138, %dma_wait3A_167, %dma_wait3A_168] : memref<2x16x10240xi32, #tpu.memory_space<vmem_shared>> -> memref<1x16x10240xi32, #tpu.memory_space<vmem_shared>>
          %dma_wait3A_170 = tpu.memref_squeeze %dma_wait3A_169 : memref<1x16x10240xi32, #tpu.memory_space<vmem_shared>> -> memref<16x10240xi32, #tpu.memory_space<vmem_shared>>
          %dma_wait3A_171 = arith.constant 0 : i32
          %dma_wait3A_172 = tpu.memref_slice %dma_wait3A_170[%arg1, %dma_wait3A_171] : memref<16x10240xi32, #tpu.memory_space<vmem_shared>> -> memref<1x10240xi32, #tpu.memory_space<vmem_shared>>
          %dma_wait3A_173 = tpu.memref_squeeze %dma_wait3A_172 : memref<1x10240xi32, #tpu.memory_space<vmem_shared>> -> memref<10240xi32, #tpu.memory_space<vmem_shared>>
          %dma_wait3A_174 = tpu.memref_slice %dma_wait3A_173[%multiple_of3A_136] : memref<10240xi32, #tpu.memory_space<vmem_shared>> -> memref<128xi32, #tpu.memory_space<vmem_shared>>
          tpu.wait_dma2 semaphore(%run_scoped3A_142 : memref<!tpu.dma_semaphore, #tpu.memory_space<semaphore_mem>>) src(%dma_wait3A_174 : memref<128xi32, #tpu.memory_space<vmem_shared>>) dst(%arg9 : memref<128xi32, #tpu.memory_space<vmem>>)
          tpu.yield
        }) : () -> ()
        %dma_start3A_139 = arith.constant 0 : i32
        %dma_start3A_140 = arith.constant 0 : i32
        %dma_start3A_141 = tpu.memref_slice %arg15[%dma_start3A_139, %dma_start3A_140] : memref<10000x64xf32, #tpu.memory_space<vmem_shared>> -> memref<10000x64xf32, #tpu.memory_space<vmem_shared>>
        tpu.enqueue_indirect_dma source(%dma_start3A_141 : memref<10000x64xf32, #tpu.memory_space<vmem_shared>>) target(%arg11 : memref<128x64xf32, #tpu.memory_space<vmem>>) offsets(%arg7 : memref<128xi32, #tpu.memory_space<vmem>>) semaphore(%arg17 : memref<!tpu.dma_semaphore, #tpu.memory_space<semaphore_mem>>)
      } else {
      }
      "tpu.region"() ({
        %run_scoped3A_132 = tpu.sem_alloc : memref<!tpu.dma_semaphore, #tpu.memory_space<semaphore_mem>>
        %dma_start3A_133 = arith.constant 0 : i32
        %dma_start3A_134 = arith.constant 0 : i32
        %dma_start3A_135 = tpu.memref_slice %arg16[%dma_start3A_133, %dma_start3A_134] : memref<10112x64xf32, #tpu.memory_space<vmem_shared>> -> memref<10112x64xf32, #tpu.memory_space<vmem_shared>>
        tpu.enqueue_indirect_dma source(%arg12 : memref<128x64xf32, #tpu.memory_space<vmem>>) target(%dma_start3A_135 : memref<10112x64xf32, #tpu.memory_space<vmem_shared>>) offsets(%arg10 : memref<128xi32, #tpu.memory_space<vmem>>) semaphore(%run_scoped3A_132 : memref<!tpu.dma_semaphore, #tpu.memory_space<semaphore_mem>>) {add = true}
        %dma_wait3A_136 = arith.constant 0 : i32
        %dma_wait3A_137 = arith.constant 0 : i32
        %dma_wait3A_138 = tpu.memref_slice %arg16[%dma_wait3A_136, %dma_wait3A_137] : memref<10112x64xf32, #tpu.memory_space<vmem_shared>> -> memref<10112x64xf32, #tpu.memory_space<vmem_shared>>
        tpu.wait_indirect_dma semaphore(%run_scoped3A_132 : memref<!tpu.dma_semaphore, #tpu.memory_space<semaphore_mem>>) src(%arg12 : memref<128x64xf32, #tpu.memory_space<vmem>>) dst(%dma_wait3A_138 : memref<10112x64xf32, #tpu.memory_space<vmem_shared>>)
        tpu.yield
      }) : () -> ()
    }
    %scan3A_70 = arith.constant 40 : i32
    %barrier3A_71 = arith.constant 0 : index
    tpu.barrier barrier_id(%barrier3A_71)
    %mul3A_72 = arith.constant 624 : i32
    %mul3A_73 = arith.muli %arg1, %mul3A_72 : i32
    %multiple_of3A_74 = tpu.assume_multiple %mul3A_73, 8 : i32
    %mul3A_75 = arith.constant 64 : i32
    %mul3A_76 = arith.muli %arg0, %mul3A_75 : i32
    %multiple_of3A_77 = tpu.assume_multiple %mul3A_76, 8 : i32
    %add3A_78 = arith.constant 0 : i32
    %add3A_79 = arith.addi %multiple_of3A_74, %add3A_78 : i32
    %add3A_80 = arith.constant 0 : i32
    %add3A_81 = arith.addi %multiple_of3A_74, %add3A_80 : i32
    "tpu.region"() ({
      %run_scoped3A_103 = tpu.sem_alloc : memref<!tpu.dma_semaphore, #tpu.memory_space<semaphore_mem>>
      %dma_start3A_104 = tpu.memref_slice %arg6[%add3A_81, %multiple_of3A_77] : memref<10000x128xf32, #tpu.memory_space<hbm>> -> memref<128x64xf32, #tpu.memory_space<hbm>>
      %dma_start3A_105 = arith.constant 0 : i32
      %dma_start3A_106 = tpu.memref_slice %arg16[%add3A_79, %dma_start3A_105] : memref<10112x64xf32, #tpu.memory_space<vmem_shared>> -> memref<128x64xf32, #tpu.memory_space<vmem_shared>>
      tpu.enqueue_dma source(%dma_start3A_106 : memref<128x64xf32, #tpu.memory_space<vmem_shared>>) target(%dma_start3A_104 : memref<128x64xf32, #tpu.memory_space<hbm>>) target_semaphore(%run_scoped3A_103 : memref<!tpu.dma_semaphore, #tpu.memory_space<semaphore_mem>>)
      %dma_wait3A = tpu.memref_slice %arg6[%add3A_81, %multiple_of3A_77] : memref<10000x128xf32, #tpu.memory_space<hbm>> -> memref<128x64xf32, #tpu.memory_space<hbm>>
      %dma_wait3A_107 = arith.constant 0 : i32
      %dma_wait3A_108 = tpu.memref_slice %arg16[%add3A_79, %dma_wait3A_107] : memref<10112x64xf32, #tpu.memory_space<vmem_shared>> -> memref<128x64xf32, #tpu.memory_space<vmem_shared>>
      tpu.wait_dma2 semaphore(%run_scoped3A_103 : memref<!tpu.dma_semaphore, #tpu.memory_space<semaphore_mem>>) src(%dma_wait3A_108 : memref<128x64xf32, #tpu.memory_space<vmem_shared>>) dst(%dma_wait3A : memref<128x64xf32, #tpu.memory_space<hbm>>)
      tpu.yield
    }) : () -> ()
    %add3A_82 = arith.constant 128 : i32
    %add3A_83 = arith.addi %multiple_of3A_74, %add3A_82 : i32
    %add3A_84 = arith.constant 128 : i32
    %add3A_85 = arith.addi %multiple_of3A_74, %add3A_84 : i32
    "tpu.region"() ({
      %run_scoped3A_103 = tpu.sem_alloc : memref<!tpu.dma_semaphore, #tpu.memory_space<semaphore_mem>>
      %dma_start3A_104 = tpu.memref_slice %arg6[%add3A_85, %multiple_of3A_77] : memref<10000x128xf32, #tpu.memory_space<hbm>> -> memref<128x64xf32, #tpu.memory_space<hbm>>
      %dma_start3A_105 = arith.constant 0 : i32
      %dma_start3A_106 = tpu.memref_slice %arg16[%add3A_83, %dma_start3A_105] : memref<10112x64xf32, #tpu.memory_space<vmem_shared>> -> memref<128x64xf32, #tpu.memory_space<vmem_shared>>
      tpu.enqueue_dma source(%dma_start3A_106 : memref<128x64xf32, #tpu.memory_space<vmem_shared>>) target(%dma_start3A_104 : memref<128x64xf32, #tpu.memory_space<hbm>>) target_semaphore(%run_scoped3A_103 : memref<!tpu.dma_semaphore, #tpu.memory_space<semaphore_mem>>)
      %dma_wait3A = tpu.memref_slice %arg6[%add3A_85, %multiple_of3A_77] : memref<10000x128xf32, #tpu.memory_space<hbm>> -> memref<128x64xf32, #tpu.memory_space<hbm>>
      %dma_wait3A_107 = arith.constant 0 : i32
      %dma_wait3A_108 = tpu.memref_slice %arg16[%add3A_83, %dma_wait3A_107] : memref<10112x64xf32, #tpu.memory_space<vmem_shared>> -> memref<128x64xf32, #tpu.memory_space<vmem_shared>>
      tpu.wait_dma2 semaphore(%run_scoped3A_103 : memref<!tpu.dma_semaphore, #tpu.memory_space<semaphore_mem>>) src(%dma_wait3A_108 : memref<128x64xf32, #tpu.memory_space<vmem_shared>>) dst(%dma_wait3A : memref<128x64xf32, #tpu.memory_space<hbm>>)
      tpu.yield
    }) : () -> ()
    %add3A_86 = arith.constant 256 : i32
    %add3A_87 = arith.addi %multiple_of3A_74, %add3A_86 : i32
    %add3A_88 = arith.constant 256 : i32
    %add3A_89 = arith.addi %multiple_of3A_74, %add3A_88 : i32
    "tpu.region"() ({
      %run_scoped3A_103 = tpu.sem_alloc : memref<!tpu.dma_semaphore, #tpu.memory_space<semaphore_mem>>
      %dma_start3A_104 = tpu.memref_slice %arg6[%add3A_89, %multiple_of3A_77] : memref<10000x128xf32, #tpu.memory_space<hbm>> -> memref<128x64xf32, #tpu.memory_space<hbm>>
      %dma_start3A_105 = arith.constant 0 : i32
      %dma_start3A_106 = tpu.memref_slice %arg16[%add3A_87, %dma_start3A_105] : memref<10112x64xf32, #tpu.memory_space<vmem_shared>> -> memref<128x64xf32, #tpu.memory_space<vmem_shared>>
      tpu.enqueue_dma source(%dma_start3A_106 : memref<128x64xf32, #tpu.memory_space<vmem_shared>>) target(%dma_start3A_104 : memref<128x64xf32, #tpu.memory_space<hbm>>) target_semaphore(%run_scoped3A_103 : memref<!tpu.dma_semaphore, #tpu.memory_space<semaphore_mem>>)
      %dma_wait3A = tpu.memref_slice %arg6[%add3A_89, %multiple_of3A_77] : memref<10000x128xf32, #tpu.memory_space<hbm>> -> memref<128x64xf32, #tpu.memory_space<hbm>>
      %dma_wait3A_107 = arith.constant 0 : i32
      %dma_wait3A_108 = tpu.memref_slice %arg16[%add3A_87, %dma_wait3A_107] : memref<10112x64xf32, #tpu.memory_space<vmem_shared>> -> memref<128x64xf32, #tpu.memory_space<vmem_shared>>
      tpu.wait_dma2 semaphore(%run_scoped3A_103 : memref<!tpu.dma_semaphore, #tpu.memory_space<semaphore_mem>>) src(%dma_wait3A_108 : memref<128x64xf32, #tpu.memory_space<vmem_shared>>) dst(%dma_wait3A : memref<128x64xf32, #tpu.memory_space<hbm>>)
      tpu.yield
    }) : () -> ()
    %add3A_90 = arith.constant 384 : i32
    %add3A_91 = arith.addi %multiple_of3A_74, %add3A_90 : i32
    %add3A_92 = arith.constant 384 : i32
    %add3A_93 = arith.addi %multiple_of3A_74, %add3A_92 : i32
    "tpu.region"() ({
      %run_scoped3A_103 = tpu.sem_alloc : memref<!tpu.dma_semaphore, #tpu.memory_space<semaphore_mem>>
      %dma_start3A_104 = tpu.memref_slice %arg6[%add3A_93, %multiple_of3A_77] : memref<10000x128xf32, #tpu.memory_space<hbm>> -> memref<128x64xf32, #tpu.memory_space<hbm>>
      %dma_start3A_105 = arith.constant 0 : i32
      %dma_start3A_106 = tpu.memref_slice %arg16[%add3A_91, %dma_start3A_105] : memref<10112x64xf32, #tpu.memory_space<vmem_shared>> -> memref<128x64xf32, #tpu.memory_space<vmem_shared>>
      tpu.enqueue_dma source(%dma_start3A_106 : memref<128x64xf32, #tpu.memory_space<vmem_shared>>) target(%dma_start3A_104 : memref<128x64xf32, #tpu.memory_space<hbm>>) target_semaphore(%run_scoped3A_103 : memref<!tpu.dma_semaphore, #tpu.memory_space<semaphore_mem>>)
      %dma_wait3A = tpu.memref_slice %arg6[%add3A_93, %multiple_of3A_77] : memref<10000x128xf32, #tpu.memory_space<hbm>> -> memref<128x64xf32, #tpu.memory_space<hbm>>
      %dma_wait3A_107 = arith.constant 0 : i32
      %dma_wait3A_108 = tpu.memref_slice %arg16[%add3A_91, %dma_wait3A_107] : memref<10112x64xf32, #tpu.memory_space<vmem_shared>> -> memref<128x64xf32, #tpu.memory_space<vmem_shared>>
      tpu.wait_dma2 semaphore(%run_scoped3A_103 : memref<!tpu.dma_semaphore, #tpu.memory_space<semaphore_mem>>) src(%dma_wait3A_108 : memref<128x64xf32, #tpu.memory_space<vmem_shared>>) dst(%dma_wait3A : memref<128x64xf32, #tpu.memory_space<hbm>>)
      tpu.yield
    }) : () -> ()
    %add3A_94 = arith.constant 512 : i32
    %add3A_95 = arith.addi %multiple_of3A_74, %add3A_94 : i32
    %add3A_96 = arith.constant 512 : i32
    %add3A_97 = arith.addi %multiple_of3A_74, %add3A_96 : i32
    "tpu.region"() ({
      %run_scoped3A_103 = tpu.sem_alloc : memref<!tpu.dma_semaphore, #tpu.memory_space<semaphore_mem>>
      %dma_start3A_104 = tpu.memref_slice %arg6[%add3A_97, %multiple_of3A_77] : memref<10000x128xf32, #tpu.memory_space<hbm>> -> memref<112x64xf32, #tpu.memory_space<hbm>>
      %dma_start3A_105 = arith.constant 0 : i32
      %dma_start3A_106 = tpu.memref_slice %arg16[%add3A_95, %dma_start3A_105] : memref<10112x64xf32, #tpu.memory_space<vmem_shared>> -> memref<112x64xf32, #tpu.memory_space<vmem_shared>>
      tpu.enqueue_dma source(%dma_start3A_106 : memref<112x64xf32, #tpu.memory_space<vmem_shared>>) target(%dma_start3A_104 : memref<112x64xf32, #tpu.memory_space<hbm>>) target_semaphore(%run_scoped3A_103 : memref<!tpu.dma_semaphore, #tpu.memory_space<semaphore_mem>>)
      %dma_wait3A = tpu.memref_slice %arg6[%add3A_97, %multiple_of3A_77] : memref<10000x128xf32, #tpu.memory_space<hbm>> -> memref<112x64xf32, #tpu.memory_space<hbm>>
      %dma_wait3A_107 = arith.constant 0 : i32
      %dma_wait3A_108 = tpu.memref_slice %arg16[%add3A_95, %dma_wait3A_107] : memref<10112x64xf32, #tpu.memory_space<vmem_shared>> -> memref<112x64xf32, #tpu.memory_space<vmem_shared>>
      tpu.wait_dma2 semaphore(%run_scoped3A_103 : memref<!tpu.dma_semaphore, #tpu.memory_space<semaphore_mem>>) src(%dma_wait3A_108 : memref<112x64xf32, #tpu.memory_space<vmem_shared>>) dst(%dma_wait3A : memref<112x64xf32, #tpu.memory_space<hbm>>)
      tpu.yield
    }) : () -> ()
    %eq3A_98 = arith.constant 15 : i32
    %eq3A_99 = arith.cmpi eq, %arg1, %eq3A_98 : i32
    %convert_element_type3A_100 = arith.extui %eq3A_99 : i1 to i32
    %cond3A_101 = arith.constant 0 : i32
    %cond3A_102 = arith.cmpi ne, %convert_element_type3A_100, %cond3A_101 : i32
    scf.if %cond3A_102 {
      "tpu.region"() ({
        %run_scoped3A_103 = tpu.sem_alloc : memref<!tpu.dma_semaphore, #tpu.memory_space<semaphore_mem>>
        %dma_start3A_104 = arith.constant 9984 : i32
        %dma_start3A_105 = tpu.memref_slice %arg6[%dma_start3A_104, %multiple_of3A_77] : memref<10000x128xf32, #tpu.memory_space<hbm>> -> memref<16x64xf32, #tpu.memory_space<hbm>>
        %dma_start3A_106 = arith.constant 9984 : i32
        %dma_start3A_107 = arith.constant 0 : i32
        %dma_start3A_108 = tpu.memref_slice %arg16[%dma_start3A_106, %dma_start3A_107] : memref<10112x64xf32, #tpu.memory_space<vmem_shared>> -> memref<16x64xf32, #tpu.memory_space<vmem_shared>>
        tpu.enqueue_dma source(%dma_start3A_108 : memref<16x64xf32, #tpu.memory_space<vmem_shared>>) target(%dma_start3A_105 : memref<16x64xf32, #tpu.memory_space<hbm>>) target_semaphore(%run_scoped3A_103 : memref<!tpu.dma_semaphore, #tpu.memory_space<semaphore_mem>>)
        %dma_wait3A = arith.constant 9984 : i32
        %dma_wait3A_109 = tpu.memref_slice %arg6[%dma_wait3A, %multiple_of3A_77] : memref<10000x128xf32, #tpu.memory_space<hbm>> -> memref<16x64xf32, #tpu.memory_space<hbm>>
        %dma_wait3A_110 = arith.constant 9984 : i32
        %dma_wait3A_111 = arith.constant 0 : i32
        %dma_wait3A_112 = tpu.memref_slice %arg16[%dma_wait3A_110, %dma_wait3A_111] : memref<10112x64xf32, #tpu.memory_space<vmem_shared>> -> memref<16x64xf32, #tpu.memory_space<vmem_shared>>
        tpu.wait_dma2 semaphore(%run_scoped3A_103 : memref<!tpu.dma_semaphore, #tpu.memory_space<semaphore_mem>>) src(%dma_wait3A_112 : memref<16x64xf32, #tpu.memory_space<vmem_shared>>) dst(%dma_wait3A_109 : memref<16x64xf32, #tpu.memory_space<hbm>>)
        tpu.yield
      }) : () -> ()
    } else {
    }
    return
  }
}

module attributes {stable_mosaic.version = 14 : i64} {
  func.func @_mm_body(%arg0: i32, %arg1: i32, %arg2: memref<1000x128xf32, #tpu.memory_space<vmem>>, %arg3: memref<1x128x64xf32, #tpu.memory_space<vmem>>, %arg4: memref<1x1x64xf32, #tpu.memory_space<vmem>>, %arg5: memref<1000x64xf32, #tpu.memory_space<vmem>>) attributes {dimension_semantics = [#tpu.dimension_semantics<arbitrary>, #tpu.dimension_semantics<arbitrary>], iteration_bounds = array<i64: 10, 2>, scalar_prefetch = 0 : i64, scratch_operands = 0 : i64, tpu.core_type = #tpu.core_type<tc>, window_params = [{transform_indices = @transform_0, window_bounds = array<i64: 1000, 128>}, {transform_indices = @transform_1, window_bounds = array<i64: 1, 128, 64>}, {transform_indices = @transform_2, window_bounds = array<i64: 1, 1, 64>}, {transform_indices = @transform_3, window_bounds = array<i64: 1000, 64>}]} {
    %get3A = arith.constant 0 : index
    %get3A_0 = arith.constant 0 : index
    %get3A_1 = vector.load %arg2[%get3A, %get3A_0] : memref<1000x128xf32, #tpu.memory_space<vmem>>, vector<1000x128xf32>
    %get3A_2 = arith.constant 0 : index
    %get3A_3 = arith.constant 0 : index
    %get3A_4 = arith.constant 0 : index
    %get3A_5 = vector.load %arg3[%get3A_2, %get3A_3, %get3A_4] : memref<1x128x64xf32, #tpu.memory_space<vmem>>, vector<1x128x64xf32>
    %get3A_6 = vector.shape_cast %get3A_5 : vector<1x128x64xf32> to vector<128x64xf32>
    %dot_general3A = arith.constant dense<0.000000e+00> : vector<1000x64xf32>
    %dot_general3A_7 = tpu.matmul %get3A_1, %get3A_6, %dot_general3A {dimension_numbers = #tpu.dot_dimension_numbers<[1], [0], [0], [1], [0, 0, 1, 1], [], []>, transpose_lhs_hint = false} : vector<1000x128xf32>, vector<128x64xf32>, vector<1000x64xf32> -> vector<1000x64xf32>
    %get3A_8 = arith.constant 0 : index
    %get3A_9 = arith.constant 0 : index
    %get3A_10 = arith.constant 0 : index
    %get3A_11 = vector.load %arg4[%get3A_8, %get3A_9, %get3A_10] : memref<1x1x64xf32, #tpu.memory_space<vmem>>, vector<1x1x64xf32>
    %get3A_12 = vector.shape_cast %get3A_11 : vector<1x1x64xf32> to vector<1x64xf32>
    %add3A = vector.broadcast %get3A_12 : vector<1x64xf32> to vector<1000x64xf32>
    %add3A_13 = arith.addf %dot_general3A_7, %add3A : vector<1000x64xf32>
    %swap3A = arith.constant 0 : index
    %swap3A_14 = arith.constant 0 : index
    %swap3A_15 = vector.load %arg5[%swap3A, %swap3A_14] : memref<1000x64xf32, #tpu.memory_space<vmem>>, vector<1000x64xf32>
    tpu.vector_store %arg5[%swap3A, %swap3A_14], %add3A_13 {strides = array<i32>} : memref<1000x64xf32, #tpu.memory_space<vmem>>, vector<1000x64xf32>,
    return
  }
  func.func @transform_0(%arg0: i32, %arg1: i32) -> (i32, i32) {
    %c0_i32 = arith.constant 0 : i32
    %c0_i32_0 = arith.constant 0 : i32
    return %arg0, %c0_i32 : i32, i32
  }
  func.func @transform_1(%arg0: i32, %arg1: i32) -> (i32, i32, i32) {
    %c0_i32 = arith.constant 0 : i32
    %c0_i32_0 = arith.constant 0 : i32
    %c0_i32_1 = arith.constant 0 : i32
    return %arg1, %c0_i32, %c0_i32_0 : i32, i32, i32
  }
  func.func @transform_2(%arg0: i32, %arg1: i32) -> (i32, i32, i32) {
    %c0_i32 = arith.constant 0 : i32
    %c0_i32_0 = arith.constant 0 : i32
    %c0_i32_1 = arith.constant 0 : i32
    return %arg1, %c0_i32, %c0_i32_0 : i32, i32, i32
  }
  func.func @transform_3(%arg0: i32, %arg1: i32) -> (i32, i32) {
    %mul3A = arith.constant 10 : i32
    %mul3A_0 = arith.muli %arg1, %mul3A : i32
    %add3A = arith.addi %mul3A_0, %arg0 : i32
    %c0_i32 = arith.constant 0 : i32
    %c0_i32_1 = arith.constant 0 : i32
    return %add3A, %c0_i32 : i32, i32
  }
}

</mosaic_0001>

<sc_bundles>
// kernel: kernel.4.cloned.1.call-start
scs
__scs_entry_jumppad:
0x0: {  	(pc) =	sbr.rel $0x88, $3  }
0x1: {  	(tag) =	ssettag $0x0;
	lr =	simm.s32 $0x1  }
0x2: {  	[smem:$0x3F9C] =	sst lr;
	_ =	strace $0xD0000000  }
0x3: {  	_ = 	snop  }
0x4: {  	_ = 	snop  }
0x5: {  	_ = 	snop  }
0x6: {  	_ = 	snop  }
0x7: {  	_ = 	snop  }
__scs_overlays_trampoline_lowered:
0x8: {  	[smem:$0x3FAB] =	sst s0  }
0x9: {  	[smem:$0x3FAC] =	sst s1  }
0xa: {  	[smem:$0x3FAD] =	sst s2  }
0xb: {  	[smem:$0x3FAE] =	sst s3  }
0xc: {  	[smem:$0x3FAF] =	sst s4  }
0xd: {  	[smem:$0x3FB0] =	sst s5  }
0xe: {  	[smem:$0x3FB1] =	sst s6  }
0xf: {  	[smem:$0x3FB2] =	sst s7  }
0x10: {  	[smem:$0x3FB3] =	sst s8  }
0x11: {  	[smem:$0x3FB4] =	sst s9;
	s0 =	simm.s32 @!p0 $0x0  }
0x12: {  	s1 =	sld [smem:$0x3F9A];
	s0 =	simm.s32 @p0 $0x1  }
0x13: {  	[smem:$0x3FB5] =	sst s0;
	s0 =	simm.s32 @!p1 $0x0  }
0x14: {  	s2 =	sld [smem:$0x3F99];
	s0 =	simm.s32 @p1 $0x1  }
0x15: {  	[smem:$0x3FB6] =	sst s0;
	s0 =	simm.s32 @!p2 $0x0  }
0x16: {  	s3 =	sld [smem:$0x3FDB];
	s0 =	simm.s32 @p2 $0x1  }
0x17: {  	s4 =	simm.s32 $0x1BF5;
	[smem:$0x3FB8] =	sst s0  }
0x18: {  	s0 =	sld [smem:$0x3F9B];
	_ =	swait.ge [sflag:s4], $0x0  }
0x19: {  	s7 =	sld [smem:$0x3F9C]  }
0x1a: {  	s8 =	sadd.s32 $0xFFFFE003, lr  }
0x1b: {  	s9 =	sadd.s32 $0xFFFFFEF7, lr;
	s5 =	simm.s32 $0xFFFFFFFF;
	p2 =	slt.u32 s8, $0xFFFFF086  }
0x1c: {  	p1 =	slt.u32 s9, $0xF7A;
	s5 =	simm.s32 @!p2 $0x0  }
0x1d: {  	s5 =	simm.s32 @p1 $0x1;
	p0 =	seq.s32 s7, s2  }
0x1e: {  	s7 =	smul.u32 @!p0 $0xF7A, s2;
	p2 =	seq.s32 @!p0 s5, $0x0  }
0x1f: {  	s9 =	smul.u32 $0xF7A, s1;
	s8 =	simm.s32 @!p0 $0x1BF5;
	p2 =	por !p2, p0  }
0x20: {  	[sflag:s8] =	ssyncset.s32 @!p0 $0xFFFFF086;
	s6 =	sadd.s32 @!p0 s3, s7;
	s7 =	simm.s32 @!p0 $0x108  }
0x21: {  	s3 =	sadd.s32 s3, s9;
	s6 =	sadd.s32 @!p0 $0x88, s6;
	s7 =	simm.s32 @p2 $0x1082  }
0x22: {  	[simem:s7], [sflag:s8] =	dma.local @!p0 [hbm:s6], $0xF7A  }
0x23: {  	s9 =	sor.u32 $0xD0000000, s2;
	s6 =	simm.s32 $0x108;
	_ =	swait.ge @!p0 [sflag:s8], $0x0  }
0x24: {  	s3 =	sadd.s32 $0x88, s3;
	s6 =	simm.s32 @!p1 $0x1082;
	[sflag:s4] =	ssyncset.s32 $0xFFFFF086  }
0x25: {  	[simem:s6], [sflag:s4] =	dma.local [hbm:s3], $0xF7A  }
0x26: {  	[smem:$0x3F9C] =	sst s1;
	(tag) =	ssettag s2;
	_ =	strace s9  }
0x27: {  	s1 =	sld [smem:$0x3FAC]  }
0x28: {  	s2 =	sld [smem:$0x3FAD]  }
0x29: {  	s4 =	sld [smem:$0x3FAF]  }
0x2a: {  	p0 =	seq.s32 s5, $0x0;
	s5 =	sld [smem:$0x3FB0]  }
0x2b: {  	s6 =	sld [smem:$0x3FB1]  }
0x2c: {  	s7 =	sld [smem:$0x3FB2]  }
0x2d: {  	s3 =	simm.s32 $0x108;
	s8 =	sld [smem:$0x3FB3]  }
0x2e: {  	s3 =	simm.s32 @!p0 $0x1082;
	s9 =	sld [smem:$0x3FB4]  }
0x2f: {  	lr =	sadd.s32 s0, s3;
	s0 =	sld [smem:$0x3FAB]  }
0x30: {  	s3 =	sld [smem:$0x3FAE]  }
0x31: {  	[smem:$0x3FB7] =	sst s10  }
0x32: {  	s10 =	sld [smem:$0x3FB5];
	_ =	sdelay $0x3  }
0x33: {  	p0 =	seq.s32 s10, $0x1;
	s10 =	sld [smem:$0x3FB7];
	_ =	sdelay $0x3  }
0x34: {  	[smem:$0x3FB7] =	sst s10  }
0x35: {  	s10 =	sld [smem:$0x3FB6];
	_ =	sdelay $0x3  }
0x36: {  	p1 =	seq.s32 s10, $0x1;
	s10 =	sld [smem:$0x3FB7];
	_ =	sdelay $0x3  }
0x37: {  	[smem:$0x3FB7] =	sst s10  }
0x38: {  	s10 =	sld [smem:$0x3FB8]  }
0x39: {  	_ = 	snop;
	(pc) =	sbr.ind lr, $3  }
0x3a: {  	_ = 	snop  }
0x3b: {  	_ = 	snop  }
0x3c: {  	p2 =	seq.s32 s10, $0x1;
	s10 =	sld [smem:$0x3FB7]  }
0x3d: {  	_ =	shalt  }
0x3e: {  	_ =	shalt  }
0x3f: {  	_ =	shalt  }
0x40: {  	_ =	shalt  }
0x41: {  	_ =	shalt  }
0x42: {  	_ =	shalt  }
0x43: {  	_ =	shalt  }
0x44: {  	_ =	shalt  }
0x45: {  	_ =	shalt  }
0x46: {  	_ =	shalt  }
0x47: {  	_ =	shalt  }
0x48: {  	_ =	shalt  }
0x49: {  	_ =	shalt  }
0x4a: {  	_ =	shalt  }
0x4b: {  	_ =	shalt  }
0x4c: {  	_ =	shalt  }
0x4d: {  	_ =	shalt  }
0x4e: {  	_ =	shalt  }
0x4f: {  	_ =	shalt  }
0x50: {  	_ =	shalt  }
0x51: {  	_ =	shalt  }
0x52: {  	_ =	shalt  }
0x53: {  	_ =	shalt  }
0x54: {  	_ =	shalt  }
0x55: {  	_ =	shalt  }
0x56: {  	_ =	shalt  }
0x57: {  	_ =	shalt  }
0x58: {  	_ =	shalt  }
0x59: {  	_ =	shalt  }
0x5a: {  	_ =	shalt  }
0x5b: {  	_ =	shalt  }
0x5c: {  	_ =	shalt  }
0x5d: {  	_ =	shalt  }
0x5e: {  	_ =	shalt  }
0x5f: {  	_ =	shalt  }
0x60: {  	_ =	shalt  }
0x61: {  	_ =	shalt  }
0x62: {  	_ =	shalt  }
0x63: {  	_ =	shalt  }
0x64: {  	_ =	shalt  }
0x65: {  	_ =	shalt  }
0x66: {  	_ =	shalt  }
0x67: {  	_ =	shalt  }
0x68: {  	_ =	shalt  }
0x69: {  	_ =	shalt  }
0x6a: {  	_ =	shalt  }
0x6b: {  	_ =	shalt  }
0x6c: {  	_ =	shalt  }
0x6d: {  	_ =	shalt  }
0x6e: {  	_ =	shalt  }
0x6f: {  	_ =	shalt  }
0x70: {  	_ =	shalt  }
0x71: {  	_ =	shalt  }
0x72: {  	_ =	shalt  }
0x73: {  	_ =	shalt  }
0x74: {  	_ =	shalt  }
0x75: {  	_ =	shalt  }
0x76: {  	_ =	shalt  }
0x77: {  	_ =	shalt  }
0x78: {  	_ =	shalt  }
0x79: {  	_ =	shalt  }
0x7a: {  	_ =	shalt  }
0x7b: {  	_ =	shalt  }
0x7c: {  	_ =	shalt  }
0x7d: {  	_ =	shalt  }
0x7e: {  	_ =	shalt  }
0x7f: {  	_ =	shalt  }
0x80: {  	_ =	shalt  }
0x81: {  	_ =	shalt  }
0x82: {  	_ =	shalt  }
0x83: {  	_ =	shalt  }
0x84: {  	_ =	shalt  }
0x85: {  	_ =	shalt  }
0x86: {  	_ =	shalt  }
0x87: {  	_ =	shalt  }
.Lfunc_end0:
.L_simem_size_0:
called_computation_lowered:
.L_overlay_start_0:
0x88: {  	s2 =	sld [smem:$0x3FD9]  }
0x89: {  	s3 =	sld [smem:$0x3FFE];
	_ =	sdelay $0x1  }
0x8a: {  	s1 =	srdreg.scid  }
0x8b: {  	s0 =	sand.u32 $0x1, s1  }
0x8c: {  	s17 =	sshll.u32 s0, $0xA;
	s2 =	sadd.s32 s3, s2  }
0x8d: {  	s2 =	sadd.s32 s2, s17  }
0x8e: {  	[smem:$0x3FC3] =	sst s2  }
0x8f: {  	_ = 	snop  }
0x90: {  	s2 =	sld [smem:$0x3FC5]  }
0x91: {  	s18 =	sld [smem:$0x3FD0];
	(tm) =	ssettm $0x1  }
0x92: {  	s4 =	sld [smem:$0x3FFB];
	_ =	sdelay $0x3  }
0x93: {  	_ =	strace s4  }
0x94: {  	s4 =	sld [smem:$0x3FFC];
	_ =	sdelay $0x3  }
0x95: {  	_ =	strace s4  }
0x96: {  	s4 =	sld [smem:$0x3FFD];
	_ =	sdelay $0x3  }
0x97: {  	_ =	strace s4  }
0x98: {  	_ =	strace $0x8FFFFFFF  }
0x99: {  	s19 =	sld [smem:$0x3FDB];
	_ =	sdelay $0x1  }
0x9a: {  	s5 =	simm.s32 $_scs_section_size  }
0x9b: {  	s6 =	simm.s32 $_size__tile_overlayer_lowered;
	s7 =	simm.s32 $_tile_overlayer_lowered  }
0x9c: {  	s22 =	simm.s32 $0x1BFF;
	s21 =	sshll.u32 s7, $0x1;
	s4 =	sadd.s32 s5, s19  }
0x9d: {  	s8 =	simm.s32 $0x0;
	s20 =	sshll.u32 s6, $0x1;
	s6 =	sadd.s32 s21, s4  }
0x9e: {  	[timem:s8], [sflag:s22] =	dma.local [hbm:s6], s20  }
0x9f: {  	_ =	swait.ge [sflag:s22], s20  }
0xa0: {  	s5 =	ssub.s32 $0x0, s20;
	[sflag:s22] =	ssyncset.done $0x0  }
0xa1: {  	[sflag:s22] =	ssyncadd.s32 s5;
	_ =	sdelay $0x1  }
0xa2: {  	s23 =	simm.s32 $0x1B8B  }
0xa3: {  	_ =	swait.ge [sflag:s23], $0x1  }
0xa4: {  	[sflag:s23] =	ssyncset.done $0x0  }
0xa5: {  	s25 =	simm.s32 $0x1B8E;
	s24 =	sld [smem:$0x3FFE];
	[sflag:s23] =	ssyncadd.s32 $0xFFFFFFFF  }
0xa6: {  	s26 =	simm.s32 $execute0_lowered;
	[smem:$0x3FD2] =	sst s25  }
0xa7: {  	s6 =	sshll.u32 s26, $0x1;
	_ =	strace $0x80000046;
	[dreg:$0x1] =	wrdreg $0xFFFFFFFF  }
0xa8: {  	s28 =	simm.s32 $_size_execute0_lowered;
	s4 =	sadd.s32 s4, s6;
	[dreg:$0x0] =	wrdreg $0x0  }
0xa9: {  	s6 =	sshll.u32 s28, $0x1;
	[dreg:$0x2] =	wrdreg s4  }
0xaa: {  	[dreg:$0x3] =	wrdreg s6  }
0xab: {  	[dreg:$0x4] =	wrdreg $0xC0  }
0xac: {  	_ =	task [dreg:s8], $0x5FFFF  }
0xad: {  	[dreg:$0x1] =	wrdreg $0xFFFFFFFF  }
0xae: {  	[dreg:$0x0] =	wrdreg $0x60  }
0xaf: {  	[dreg:$0x2] =	wrdreg s24  }
0xb0: {  	[dreg:$0x3] =	wrdreg s2  }
0xb1: {  	[dreg:$0x4] =	wrdreg s18  }
0xb2: {  	[dreg:$0x5] =	wrdreg $0x12E800  }
0xb3: {  	[dreg:$0x6] =	wrdreg $0x92400  }
0xb4: {  	[dreg:$0x7] =	wrdreg $0x42400  }
0xb5: {  	[dreg:$0x8] =	wrdreg $0x9  }
0xb6: {  	_ =	task.clear_ibuf [dreg:s8], $0x9FFFF;
	_ =	strace $0x90000046  }
0xb7: {  	s29 =	simm.s32 $0x9;
	_ =	strace $0x80000048  }
0xb8: {  	_ =	swait.ge [sflag:s29], $0x1  }
0xb9: {  	[sflag:s29] =	ssyncadd.s32 $0xFFFFFFFF  }
0xba: {  	_ =	strace $0x90000048  }
0xbb: {  	_ =	sfence  }
0xbc: {  	s30 =	sld [smem:$0x0];
	_ =	sdelay $0x2  }
0xbd: {  	s31 =	sshll.u32 s1, $0xD;
	s1 =	sshrl.u32 s1, $0x2  }
0xbe: {  	s3 =	sand.u32 $0x4000, s31;
	s1 =	sadd.s32 s1, s30  }
0xbf: {  	s0 =	sor.u32 s3, s0;
	s1 =	sshll.u32 s1, $0x11  }
0xc0: {  	s0 =	sor.u32 s1, s0  }
0xc1: {  	s0 =	sadd.s32 $0x8F2B, s0  }
0xc2: {  	[sflag:s0] =	ssyncadd.remote.s32 $0x1  }
0xc3: {  	_ =	sfence.sel $0xFFFF  }
0xc4: {  	[dreg:$0x0] =	wrdreg $0xFFFFFFFF;
	(pc) =	sbr.abs _section_cstart, $3  }
0xc5: {  	[dreg:$0x1] =	wrdreg $0xFFFFFFFF  }
0xc6: {  	_ =	task.clear_ibuf [dreg:s8], $0x2FFFF;
	_ =	strace $0x9FFFFFFF  }
0xc7: {  	(tm) =	ssettm $0x7FFFFFFF  }
tec
execute0_lowered:
.L_overlay_start_1:
0x0: {  	(tag) =	ssettag $0x1  }
0x1: {  	s0 =	rddreg [dreg:$0x0]  }
0x2: {  	s5 =	rddreg [dreg:$0x1]  }
0x3: {  	s6 =	rddreg [dreg:$0x2]  }
0x4: {  	s1 =	rddreg [dreg:$0x3]  }
0x5: {  	s2 =	rddreg [dreg:$0x4];
	s21 =	stileid.u32  }
0x6: {  	s7 =	rddreg [dreg:$0x5];
	s9 =	smul.u32 $0x27800, s21  }
0x7: {  	s4 =	simm.s32 $0x0;
	s3 =	srdreg.scid;
	s12 =	smul.u32 $0x270, s21  }
0x8: {  	[smem:$0x7FF] =	sst s4;
	s8 =	sand.u32 $0x1, s3;
	s28 =	smul.u32 $0x2800, s21  }
0x9: {  	s10 =	sadd.s32 $0xC00, s0;
	s13 =	sadd.s32 $0x27E00, s0;
	s29 =	smul.u32 $0x13800, s21  }
0xa: {  	s30 =	smul.u32 $0x5000, s21;
	p0 =	sne.s32 s21, $0xF;
	p1 =	seq.s32 s21, $0xF  }
0xb: {  	_ =	strace $0x80000047;
	s3 =	ssub.s32 $0x2, s8;
	s22 =	smul.u32 $0x2710, s8  }
0xc: {  	s14 =	sshll.u32 s8, $0x6;
	s15 =	sshll.u32 s8, $0x3;
	s8 =	smul.u32 $0x9C400, s8  }
0xd: {  	s11 =	sshrl.u32 s3, $0x1;
	s5 =	sadd.s32 s5, s15;
	s23 =	sshrl.u32 s9, $0x2  }
0xe: {  	s9 =	sadd.s32 s28, s7;
	s17 =	sadd.s32 $0x180, s12;
	s7 =	sshrl.u32 s30, $0x3  }
0xf: {  	s30 =	sadd.s32 s15, s6;
	s15 =	sadd.s32 $0x3B800, s0;
	s3 =	ssub.s32 s3, s11  }
0x10: {  	[dreg:$0x7] =	wrdreg s5;
	s24 =	sadd.s32 s12, s22;
	s22 =	sadd.s32 s23, s1  }
0x11: {  	s8 =	sshrl.u32 s8, $0x3;
	s11 =	sadd.s32 $0x100, s12;
	s18 =	sshll.u32 s17, $0x7  }
0x12: {  	[dreg:$0x13] =	wrdreg s15;
	s15 =	sadd.s32 $0x28000, s9;
	s25 =	sshll.u32 s24, $0x3  }
0x13: {  	s26 =	sadd.s32 s10, s8;
	s16 =	sshll.u32 s11, $0x7;
	s18 =	sor.u32 s14, s18  }
0x14: {  	s3 =	smax.u32 s3, $0x1;
	s31 =	smov.u32 s22;
	s5 =	sadd.s32 s10, s25  }
0x15: {  	s10 =	sadd.s32 $0x80, s12;
	s12 =	sadd.s32 $0x200, s12;
	s16 =	sor.u32 s14, s16  }
0x16: {  	s25 =	sshrl.u32 s18, $0x3;
	s18 =	sadd.s32 $0x31900, s0;
	[dreg:$0x17] =	wrdreg s3  }
0x17: {  	[dreg:$0x8] =	wrdreg s5;
	s5 =	sadd.s32 $0x13800, s26;
	s20 =	sshll.u32 s10, $0x7  }
0x18: {  	s19 =	sshll.u32 s12, $0x7;
	s24 =	sshrl.u32 s16, $0x3;
	s28 =	sadd.s32 s6, s25  }
0x19: {  	s16 =	smul.u32 $0x9C00, s21;
	[dreg:$0x14] =	wrdreg s18;
	s25 =	sshll.u32 s17, $0x6  }
0x1a: {  	s17 =	sadd.s32 $0x2A780, s9;
	s18 =	simm.s32 $0x2;
	[dreg:$0x9] =	wrdreg s5  }
0x1b: {  	s5 =	sor.u32 s14, s29;
	s8 =	sor.u32 s14, s20;
	s14 =	sor.u32 s14, s19  }
0x1c: {  	s19 =	smul.u32 $0xA00, s21;
	s20 =	sadd.s32 $0x500, s7;
	[dreg:$0xf] =	wrdreg s28  }
0x1d: {  	s21 =	simm.s32 $0x80;
	s5 =	sshrl.u32 s5, $0x3;
	s8 =	sshrl.u32 s8, $0x3  }
0x1e: {  	s26 =	sshrl.u32 s14, $0x3;
	[dreg:$0xb] =	wrdreg s20;
	s14 =	sadd.s32 s13, s20  }
0x1f: {  	s20 =	sadd.s32 $0x31A40, s0;
	s0 =	sadd.s32 $0x3BBC0, s0;
	[dreg:$0xa] =	wrdreg s19  }
0x20: {  	s5 =	sadd.s32 s6, s5;
	s23 =	sadd.s32 s6, s8;
	[dreg:$0x12] =	wrdreg s14  }
0x21: {  	s29 =	sadd.s32 s6, s26;
	s8 =	sadd.s32 s13, s19;
	[dreg:$0x15] =	wrdreg s0  }
0x22: {  	s19 =	sshll.u32 s10, $0x6;
	s26 =	sshll.u32 s12, $0x6;
	[dreg:$0xc] =	wrdreg s5  }
0x23: {  	s10 =	sadd.s32 s25, s1;
	s12 =	sadd.s32 $0x4000, s22;
	[dreg:$0xd] =	wrdreg s23  }
0x24: {  	s13 =	sadd.s32 $0x6000, s22;
	s14 =	sadd.s32 $0x8000, s22;
	[dreg:$0x10] =	wrdreg s29  }
0x25: {  	s25 =	simm.s32 $0x8;
	s5 =	sadd.s32 s6, s24;
	[dreg:$0x11] =	wrdreg s8  }
0x26: {  	s23 =	sadd.s32 s16, s2;
	s6 =	sadd.s32 s16, s1;
	s0 =	sadd.s32 s19, s1  }
0x27: {  	s24 =	sshll.u32 s11, $0x6;
	s11 =	sadd.s32 s26, s1;
	s16 =	sadd.s32 $0x2780, s9  }
0x28: {  	s19 =	simm.s32 $0x200;
	s26 =	simm.s32 $0x0;
	[dreg:$0xe] =	wrdreg s5  }
0x29: {  	s8 =	sadd.s32 s24, s1;
	s5 =	sadd.s32 $0x27000, s30;
	s28 =	sshrl.u32 s23, $0x3  }
0x2a: {  	s29 =	sshrl.u32 s6, $0x3;
	s0 =	sshrl.u32 s0, $0x3;
	[dreg:$0x16] =	wrdreg s5  }
0x2b: {  	s6 =	sadd.s32 $0x9C000, s1;
	s23 =	simm.s32 $0x2200;
	[dreg:$0x18] =	wrdreg s28  }
0x2c: {  	s24 =	simm.s32 $0x10;
	s5 =	sadd.s32 $0x9C000, s2;
	[dreg:$0x1c] =	wrdreg s29  }
0x2d: {  	[dreg:$0x1d] =	wrdreg s0;
	s30 =	sshrl.u32 s8, $0x3;
	s3 =	sshrl.u32 @!p0 s5, $0x3  }
0x2e: {  	s7 =	sshrl.u32 @!p0 s6, $0x3;
	[dreg:$0x19] =	wrdreg s3;
	s3 =	sadd.s32 $0xA00, s9  }
0x2f: {  	s8 =	sadd.s32 $0x2000, s22;
	[dreg:$0x1e] =	wrdreg s30;
	s3 =	sshrl.u32 @p1 s3, $0x3  }
0x30: {  	s22 =	simm.s32 $0x1;
	s5 =	sadd.s32 $0x28A00, s9;
	[dreg:$0x1a] =	wrdreg s3  }
0x31: {  	s3 =	sshrl.u32 @p1 s5, $0x3;
	s5 =	sshrl.u32 s11, $0x3;
	s11 =	simm.s32 $0x180  }
0x32: {  	[dreg:$0x1b] =	wrdreg s3;
	s3 =	sshrl.u32 s10, $0x3;
	s10 =	simm.s32 $0x100  }
.LBB2_1:
0x33: {  	s6 =	rddreg [dreg:$0x7];
	s0 =	simm.s32 $0x4200  }
0x34: {  	[tilespmem:s0], [sflag:$0x2] =	stream.linear.gather [hbm4b:s6+s4], $0x40, $0x38;
	[tilespmem:$0x1CC80] =	vst v63  }
0x35: {  	_ =	swait.ge [sflag:s18], $0x40  }
0x36: {  	[sflag:s18] =	ssyncset.done $0x0  }
0x37: {  	[sflag:s18] =	ssyncadd.s32 $0xFFFFFFC0  }
0x38: {  	s28 =	simm.s32 $0x0;
	s6 =	simm.s32 $0x100;
	v0 =	vld [tilespmem:$0x4200]  }
.LBB2_2:
0x39: {  	p2 =	sne.s32 s6, $0x7F00;
	_ =	sdelay $0x2  }
0x3a: {  	s29 =	sshra.s32 s28, $0x2;
	s28 =	smov.u32 s6  }
0x3b: {  	[tilespmem:s29+$0x200] =	vst v0  }
0x3c: {  	v0 =	vld [tilespmem:$0x4210];
	_ =	sdelay $0x4  }
0x3d: {  	[tilespmem:s29+$0x210] =	vst v0  }
0x3e: {  	v0 =	vld [tilespmem:$0x4220];
	_ =	sdelay $0x4  }
0x3f: {  	[tilespmem:s29+$0x220] =	vst v0  }
0x40: {  	v0 =	vld [tilespmem:$0x4230];
	_ =	sdelay $0x1  }
.Ltmp0:
0x41: {  	(pc) =	sbr.rel @p2 .LBB2_2-.Ltmp0, $3  }
0x42: {  	_ =	sdelay $0x1  }
0x43: {  	[tilespmem:s29+$0x230] =	vst v0  }
0x44: {  	s6 =	sadd.s32 $0x100, s6;
	v0 =	vld [tilespmem:$0x4200]  }
0x45: {  	_ =	sdelay $0x2  }
0x46: {  	s6 =	sshra.s32 s28, $0x2  }
0x47: {  	[tilespmem:s6+$0x200] =	vst v0  }
0x48: {  	v0 =	vld [tilespmem:$0x4210];
	_ =	sdelay $0x4  }
0x49: {  	[tilespmem:s6+$0x210] =	vst v0  }
0x4a: {  	v0 =	vld [tilespmem:$0x4220];
	_ =	sdelay $0x4  }
0x4b: {  	[tilespmem:s6+$0x220] =	vst v0  }
0x4c: {  	v0 =	vld [tilespmem:$0x4230];
	_ =	sdelay $0x4  }
0x4d: {  	[tilespmem:s6+$0x230] =	vst v0  }
0x4e: {  	[spmem:s31] =	stream.linear.scatter [tilespmem:s19], [sflag:$0x2], $0x2000, $0x38;
	[tilespmem:$0x1CC80] =	vst v63  }
0x4f: {  	_ =	swait.ge [sflag:s18], $0x2000  }
0x50: {  	[sflag:s18] =	ssyncset.done $0x0  }
0x51: {  	[sflag:s18] =	ssyncadd.s32 $0xFFFFE000  }
0x52: {  	[spmem:s8] =	stream.linear.scatter [tilespmem:s19], [sflag:$0x2], $0x2000, $0x38;
	[tilespmem:$0x1CC80] =	vst v63  }
0x53: {  	_ =	swait.ge [sflag:s18], $0x2000  }
0x54: {  	[sflag:s18] =	ssyncset.done $0x0  }
0x55: {  	[sflag:s18] =	ssyncadd.s32 $0xFFFFE000  }
0x56: {  	[spmem:s12] =	stream.linear.scatter [tilespmem:s19], [sflag:$0x2], $0x2000, $0x38;
	[tilespmem:$0x1CC80] =	vst v63  }
0x57: {  	_ =	swait.ge [sflag:s18], $0x2000  }
0x58: {  	[sflag:s18] =	ssyncset.done $0x0  }
0x59: {  	[sflag:s18] =	ssyncadd.s32 $0xFFFFE000  }
0x5a: {  	[spmem:s13] =	stream.linear.scatter [tilespmem:s19], [sflag:$0x2], $0x2000, $0x38;
	[tilespmem:$0x1CC80] =	vst v63  }
0x5b: {  	_ =	swait.ge [sflag:s18], $0x2000  }
0x5c: {  	[sflag:s18] =	ssyncset.done $0x0  }
0x5d: {  	[sflag:s18] =	ssyncadd.s32 $0xFFFFE000  }
0x5e: {  	[spmem:s14] =	stream.linear.scatter [tilespmem:s19], [sflag:$0x2], $0x1E00, $0x38;
	[tilespmem:$0x1CC80] =	vst v63  }
0x5f: {  	s30 =	stileid.u32;
	_ =	swait.ge [sflag:s18], $0x1E00  }
0x60: {  	s6 =	sshll.u32 s30, $0x6;
	[sflag:s18] =	ssyncset.done $0x0;
	s28 =	rddreg [dreg:$0x8]  }
0x61: {  	s6 =	sor.u32 $0x1C02, s6;
	s0 =	rddreg [dreg:$0x18];
	[sflag:s18] =	ssyncadd.s32 $0xFFFFE200  }
0x62: {  	[spmem:s0], [sflag:s6] =	dma.local [hbm:s28], $0x1380  }
0x63: {  	_ =	swait.ge [sflag:s18], $0x1380  }
0x64: {  	[sflag:s18] =	ssyncset.done $0x0;
	s28 =	rddreg [dreg:$0x9]  }
0x65: {  	s0 =	rddreg [dreg:$0x19];
	[sflag:s18] =	ssyncadd.s32 $0xFFFFEC80  }
0x66: {  	[spmem:s0], [sflag:s6] =	dma.local @!p0 [hbm:s28], $0x80  }
0x67: {  	s28 =	simm.s32 @!p0 $0x2  }
0x68: {  	_ =	swait.ge @!p0 [sflag:s28], $0x80  }
0x69: {  	[sflag:s28] =	ssyncset.done @!p0 $0x0  }
0x6a: {  	[sflag:s28] =	ssyncadd.s32 @!p0 $0xFFFFFF80  }
0x6b: {  	[bflag:$0x0] =	sbarrier.arrive $0xFFFF  }
0x6c: {  	s28 =	sshrl.u32 s9, $0x3;
	s29 =	rddreg [dreg:$0x11]  }
0x6d: {  	[spmem:s28], [sflag:s6] =	dma.local [hbm:s29], $0x500  }
0x6e: {  	_ =	swait.ge [sflag:s18], $0x500  }
0x6f: {  	[sflag:s18] =	ssyncset.done $0x0;
	s28 =	rddreg [dreg:$0xa]  }
0x70: {  	s0 =	sshrl.u32 s15, $0x3;
	[sflag:s18] =	ssyncadd.s32 $0xFFFFFB00;
	s28 =	sadd.s32 s28, s20  }
0x71: {  	[spmem:s0], [sflag:s6] =	dma.local [hbm:s28], $0x500  }
0x72: {  	_ =	swait.ge [sflag:s18], $0x500  }
0x73: {  	[sflag:s18] =	ssyncset.done $0x0  }
0x74: {  	[sflag:s18] =	ssyncadd.s32 $0xFFFFFB00  }
0x75: {  	[tilespmem:s4], [sflag:$0x2] =	stream.linear.gather [spmem:s9], $0x80, $0x38;
	[tilespmem:$0x1CC80] =	vst v63  }
0x76: {  	_ =	swait.ge [sflag:s18], $0x80  }
0x77: {  	[sflag:s18] =	ssyncset.done $0x0  }
0x78: {  	[sflag:s18] =	ssyncadd.s32 $0xFFFFFF80  }
0x79: {  	[tilespmem:s10], [sflag:$0x2] =	stream.linear.gather [spmem:s15], $0x80, $0x38;
	[tilespmem:$0x1CC80] =	vst v63  }
0x7a: {  	_ =	swait.ge [sflag:s18], $0x80  }
0x7b: {  	[sflag:s18] =	ssyncset.done $0x0  }
0x7c: {  	[sflag:s18] =	ssyncadd.s32 $0xFFFFFF80  }
0x7d: {  	[tilespmem:s19], [sflag:$0x1] =	stream.indirect.gather [spmem:s2], $0x40, s4, s21, $0xb8;
	[tilespmem:$0x1CC80] =	vst v63  }
0x7e: {  	_ =	swait.ge [sflag:s22], $0x2000  }
0x7f: {  	s28 =	sadd.s32 $0xFFFFD900, s9;
	[sflag:s22] =	ssyncset.done $0x0  }
0x80: {  	s30 =	sadd.s32 $0x2780, s28;
	[sflag:s22] =	ssyncadd.s32 $0xFFFFE000  }
0x81: {  	[tilespmem:s21], [sflag:$0x2] =	stream.linear.gather [spmem:s30], $0x80, $0x38;
	[tilespmem:$0x1CC80] =	vst v63  }
0x82: {  	_ =	swait.ge [sflag:s18], $0x80  }
0x83: {  	[sflag:s18] =	ssyncset.done $0x0  }
0x84: {  	s0 =	sadd.s32 $0x2A780, s28;
	[sflag:s18] =	ssyncadd.s32 $0xFFFFFF80  }
0x85: {  	[tilespmem:s11], [sflag:$0x2] =	stream.linear.gather [spmem:s0], $0x80, $0x38;
	[tilespmem:$0x1CC80] =	vst v63  }
0x86: {  	_ =	swait.ge [sflag:s18], $0x80  }
0x87: {  	[sflag:s18] =	ssyncset.done $0x0  }
0x88: {  	[sflag:s18] =	ssyncadd.s32 $0xFFFFFF80  }
0x89: {  	[tilespmem:s23], [sflag:$0x1] =	stream.indirect.gather [spmem:s2], $0x40, s21, s21, $0xb8;
	[tilespmem:$0x1CC80] =	vst v63  }
0x8a: {  	_ = 	snop  }
0x8b: {  	[spmem:s1] =	stream.indirect.scatter.add.f32 [tilespmem:s19], [sflag:$0x2], $0x40, s10, s21, $0xb8;
	[tilespmem:$0x1CC80] =	vst v63  }
0x8c: {  	_ =	swait.ge [sflag:s18], $0x2000  }
0x8d: {  	[sflag:s18] =	ssyncset.done $0x0  }
0x8e: {  	[sflag:s18] =	ssyncadd.s32 $0xFFFFE000  }
0x8f: {  	_ =	swait.ge [sflag:s22], $0x2000  }
0x90: {  	[sflag:s22] =	ssyncset.done $0x0  }
0x91: {  	s30 =	sadd.s32 $0x2800, s28;
	[sflag:s22] =	ssyncadd.s32 $0xFFFFE000  }
0x92: {  	[tilespmem:s4], [sflag:$0x2] =	stream.linear.gather [spmem:s30], $0x80, $0x38;
	[tilespmem:$0x1CC80] =	vst v63  }
0x93: {  	_ =	swait.ge [sflag:s18], $0x80  }
0x94: {  	[sflag:s18] =	ssyncset.done $0x0  }
0x95: {  	s28 =	sadd.s32 $0x2A800, s28;
	[sflag:s18] =	ssyncadd.s32 $0xFFFFFF80  }
0x96: {  	[tilespmem:s10], [sflag:$0x2] =	stream.linear.gather [spmem:s28], $0x80, $0x38;
	[tilespmem:$0x1CC80] =	vst v63  }
0x97: {  	_ =	swait.ge [sflag:s18], $0x80  }
0x98: {  	[sflag:s18] =	ssyncset.done $0x0  }
0x99: {  	[sflag:s18] =	ssyncadd.s32 $0xFFFFFF80  }
0x9a: {  	[tilespmem:s19], [sflag:$0x1] =	stream.indirect.gather [spmem:s2], $0x40, s4, s21, $0xb8;
	[tilespmem:$0x1CC80] =	vst v63  }
0x9b: {  	_ = 	snop  }
0x9c: {  	[spmem:s1] =	stream.indirect.scatter.add.f32 [tilespmem:s23], [sflag:$0x2], $0x40, s11, s21, $0xb8;
	[tilespmem:$0x1CC80] =	vst v63  }
0x9d: {  	_ =	swait.ge [sflag:s18], $0x2000  }
0x9e: {  	s28 =	simm.s32 $0xFFFF6800;
	[sflag:s18] =	ssyncset.done $0x0  }
.LBB2_4:
0x9f: {  	p2 =	sne.s32 s28, $0xFFFFFC00  }
0xa0: {  	[sflag:s18] =	ssyncadd.s32 $0xFFFFE000;
	s29 =	smov.u32 s28;
	s28 =	sadd.s32 $0x400, s28  }
0xa1: {  	_ =	swait.ge [sflag:s22], $0x2000  }
0xa2: {  	s29 =	sshra.s32 s29, $0x2;
	[sflag:s22] =	ssyncset.done $0x0  }
0xa3: {  	s29 =	sadd.s32 s29, s9;
	[sflag:s22] =	ssyncadd.s32 $0xFFFFE000  }
0xa4: {  	s30 =	sadd.s32 $0x2780, s29  }
0xa5: {  	[tilespmem:s21], [sflag:$0x2] =	stream.linear.gather [spmem:s30], $0x80, $0x38;
	[tilespmem:$0x1CC80] =	vst v63  }
0xa6: {  	_ =	swait.ge [sflag:s18], $0x80  }
0xa7: {  	[sflag:s18] =	ssyncset.done $0x0  }
0xa8: {  	s30 =	sadd.s32 $0x2A780, s29;
	[sflag:s18] =	ssyncadd.s32 $0xFFFFFF80  }
0xa9: {  	[tilespmem:s11], [sflag:$0x2] =	stream.linear.gather [spmem:s30], $0x80, $0x38;
	[tilespmem:$0x1CC80] =	vst v63  }
0xaa: {  	_ =	swait.ge [sflag:s18], $0x80  }
0xab: {  	[sflag:s18] =	ssyncset.done $0x0  }
0xac: {  	[sflag:s18] =	ssyncadd.s32 $0xFFFFFF80  }
0xad: {  	[tilespmem:s23], [sflag:$0x1] =	stream.indirect.gather [spmem:s2], $0x40, s21, s21, $0xb8;
	[tilespmem:$0x1CC80] =	vst v63  }
0xae: {  	_ = 	snop  }
0xaf: {  	[spmem:s1] =	stream.indirect.scatter.add.f32 [tilespmem:s19], [sflag:$0x2], $0x40, s10, s21, $0xb8;
	[tilespmem:$0x1CC80] =	vst v63  }
0xb0: {  	_ =	swait.ge [sflag:s18], $0x2000  }
0xb1: {  	[sflag:s18] =	ssyncset.done $0x0  }
0xb2: {  	[sflag:s18] =	ssyncadd.s32 $0xFFFFE000  }
0xb3: {  	_ =	swait.ge [sflag:s22], $0x2000  }
0xb4: {  	[sflag:s22] =	ssyncset.done $0x0  }
0xb5: {  	s30 =	sadd.s32 $0x2800, s29;
	[sflag:s22] =	ssyncadd.s32 $0xFFFFE000  }
0xb6: {  	[tilespmem:s4], [sflag:$0x2] =	stream.linear.gather [spmem:s30], $0x80, $0x38;
	[tilespmem:$0x1CC80] =	vst v63  }
0xb7: {  	_ =	swait.ge [sflag:s18], $0x80  }
0xb8: {  	[sflag:s18] =	ssyncset.done $0x0  }
0xb9: {  	s29 =	sadd.s32 $0x2A800, s29;
	[sflag:s18] =	ssyncadd.s32 $0xFFFFFF80  }
0xba: {  	[tilespmem:s10], [sflag:$0x2] =	stream.linear.gather [spmem:s29], $0x80, $0x38;
	[tilespmem:$0x1CC80] =	vst v63  }
0xbb: {  	_ =	swait.ge [sflag:s18], $0x80  }
0xbc: {  	[sflag:s18] =	ssyncset.done $0x0  }
0xbd: {  	[sflag:s18] =	ssyncadd.s32 $0xFFFFFF80  }
0xbe: {  	[tilespmem:s19], [sflag:$0x1] =	stream.indirect.gather [spmem:s2], $0x40, s4, s21, $0xb8;
	[tilespmem:$0x1CC80] =	vst v63  }
.Ltmp1:
0xbf: {  	_ = 	snop;
	(pc) =	sbr.rel @p2 .LBB2_4-.Ltmp1, $4  }
0xc0: {  	_ = 	snop  }
0xc1: {  	[spmem:s1] =	stream.indirect.scatter.add.f32 [tilespmem:s23], [sflag:$0x2], $0x40, s11, s21, $0xb8;
	[tilespmem:$0x1CC80] =	vst v63  }
0xc2: {  	_ =	swait.ge [sflag:s18], $0x2000  }
0xc3: {  	[sflag:s18] =	ssyncset.done $0x0  }
0xc4: {  	[sflag:s18] =	ssyncadd.s32 $0xFFFFE000  }
0xc5: {  	_ =	swait.ge [sflag:s22], $0x2000  }
0xc6: {  	[sflag:s22] =	ssyncset.done $0x0  }
0xc7: {  	[sflag:s22] =	ssyncadd.s32 $0xFFFFE000  }
0xc8: {  	[tilespmem:s21], [sflag:$0x2] =	stream.linear.gather [spmem:s16], $0x80, $0x38;
	[tilespmem:$0x1CC80] =	vst v63  }
0xc9: {  	_ =	swait.ge [sflag:s18], $0x80  }
0xca: {  	[sflag:s18] =	ssyncset.done $0x0  }
0xcb: {  	[sflag:s18] =	ssyncadd.s32 $0xFFFFFF80  }
0xcc: {  	[tilespmem:s11], [sflag:$0x2] =	stream.linear.gather [spmem:s17], $0x80, $0x38;
	[tilespmem:$0x1CC80] =	vst v63  }
0xcd: {  	_ =	swait.ge [sflag:s18], $0x80  }
0xce: {  	[sflag:s18] =	ssyncset.done $0x0  }
0xcf: {  	[sflag:s18] =	ssyncadd.s32 $0xFFFFFF80  }
0xd0: {  	[tilespmem:s23], [sflag:$0x1] =	stream.indirect.gather [spmem:s2], $0x40, s21, s21, $0xb8;
	[tilespmem:$0x1CC80] =	vst v63  }
0xd1: {  	_ = 	snop  }
0xd2: {  	[spmem:s1] =	stream.indirect.scatter.add.f32 [tilespmem:s19], [sflag:$0x2], $0x40, s10, s21, $0xb8;
	[tilespmem:$0x1CC80] =	vst v63  }
0xd3: {  	_ =	swait.ge [sflag:s18], $0x2000  }
0xd4: {  	[sflag:s18] =	ssyncset.done $0x0  }
0xd5: {  	[sflag:s18] =	ssyncadd.s32 $0xFFFFE000  }
0xd6: {  	_ =	swait.ge [sflag:s22], $0x2000  }
0xd7: {  	[sflag:s22] =	ssyncset.done $0x0  }
0xd8: {  	[sflag:s22] =	ssyncadd.s32 $0xFFFFE000  }
0xd9: {  	[spmem:s1] =	stream.indirect.scatter.add.f32 [tilespmem:s23], [sflag:$0x2], $0x40, s11, s21, $0xb8;
	[tilespmem:$0x1CC80] =	vst v63  }
0xda: {  	_ =	swait.ge [sflag:s18], $0x2000  }
0xdb: {  	[sflag:s18] =	ssyncset.done $0x0  }
0xdc: {  	s28 =	sshrl.u32 @p1 s9, $0x3;
	s29 =	rddreg [dreg:$0x14];
	[sflag:s18] =	ssyncadd.s32 $0xFFFFE000  }
0xdd: {  	[spmem:s28], [sflag:s6] =	dma.local @p1 [hbm:s29], $0x140  }
0xde: {  	s28 =	simm.s32 @p1 $0x2  }
0xdf: {  	_ =	swait.ge @p1 [sflag:s28], $0x140  }
0xe0: {  	[sflag:s28] =	ssyncset.done @p1 $0x0;
	s29 =	rddreg [dreg:$0x13]  }
0xe1: {  	s0 =	rddreg [dreg:$0x1a];
	[sflag:s28] =	ssyncadd.s32 @p1 $0xFFFFFEC0  }
0xe2: {  	[spmem:s0], [sflag:s6] =	dma.local @p1 [hbm:s29], $0x3C0  }
0xe3: {  	_ =	swait.ge @p1 [sflag:s28], $0x3C0  }
0xe4: {  	[sflag:s28] =	ssyncset.done @p1 $0x0  }
0xe5: {  	s30 =	sshrl.u32 @p1 s15, $0x3;
	s29 =	sadd.s32 @p1 $0x9B00, s20;
	[sflag:s28] =	ssyncadd.s32 @p1 $0xFFFFFC40  }
0xe6: {  	[spmem:s30], [sflag:s6] =	dma.local @p1 [hbm:s29], $0x140  }
0xe7: {  	_ =	swait.ge @p1 [sflag:s28], $0x140  }
0xe8: {  	[sflag:s28] =	ssyncset.done @p1 $0x0;
	s29 =	rddreg [dreg:$0x15]  }
0xe9: {  	s0 =	rddreg [dreg:$0x1b];
	[sflag:s28] =	ssyncadd.s32 @p1 $0xFFFFFEC0  }
0xea: {  	[spmem:s0], [sflag:s6] =	dma.local @p1 [hbm:s29], $0x3C0  }
0xeb: {  	_ =	swait.ge @p1 [sflag:s28], $0x3C0  }
0xec: {  	[sflag:s28] =	ssyncset.done @p1 $0x0  }
0xed: {  	s29 =	rddreg [dreg:$0x12];
	[sflag:s28] =	ssyncadd.s32 @p1 $0xFFFFFC40;
	s28 =	sshrl.u32 @!p1 s9, $0x3  }
0xee: {  	[spmem:s28], [sflag:s6] =	dma.local @!p1 [hbm:s29], $0x500  }
0xef: {  	s28 =	simm.s32 @!p1 $0x2  }
0xf0: {  	_ =	swait.ge @!p1 [sflag:s28], $0x500  }
0xf1: {  	[sflag:s28] =	ssyncset.done @!p1 $0x0;
	s29 =	rddreg [dreg:$0xb]  }
0xf2: {  	s30 =	sshrl.u32 @!p1 s15, $0x3;
	[sflag:s28] =	ssyncadd.s32 @!p1 $0xFFFFFB00;
	s29 =	sadd.s32 @!p1 s29, s20  }
0xf3: {  	[spmem:s30], [sflag:s6] =	dma.local @!p1 [hbm:s29], $0x500  }
0xf4: {  	_ =	swait.ge @!p1 [sflag:s28], $0x500  }
0xf5: {  	[sflag:s28] =	ssyncset.done @!p1 $0x0  }
0xf6: {  	[sflag:s28] =	ssyncadd.s32 @!p1 $0xFFFFFB00  }
0xf7: {  	[tilespmem:s4], [sflag:$0x2] =	stream.linear.gather [spmem:s9], $0x80, $0x38;
	[tilespmem:$0x1CC80] =	vst v63  }
0xf8: {  	_ =	swait.ge [sflag:s18], $0x80  }
0xf9: {  	[sflag:s18] =	ssyncset.done $0x0  }
0xfa: {  	[sflag:s18] =	ssyncadd.s32 $0xFFFFFF80  }
0xfb: {  	[tilespmem:s10], [sflag:$0x2] =	stream.linear.gather [spmem:s15], $0x80, $0x38;
	[tilespmem:$0x1CC80] =	vst v63  }
0xfc: {  	_ =	swait.ge [sflag:s18], $0x80  }
0xfd: {  	[sflag:s18] =	ssyncset.done $0x0  }
0xfe: {  	[sflag:s18] =	ssyncadd.s32 $0xFFFFFF80  }
0xff: {  	[tilespmem:s19], [sflag:$0x1] =	stream.indirect.gather [spmem:s2], $0x40, s4, s21, $0xb8;
	[tilespmem:$0x1CC80] =	vst v63  }
0x100: {  	_ =	swait.ge [sflag:s22], $0x2000  }
0x101: {  	s28 =	sadd.s32 $0xFFFFD900, s9;
	[sflag:s22] =	ssyncset.done $0x0  }
0x102: {  	s30 =	sadd.s32 $0x2780, s28;
	[sflag:s22] =	ssyncadd.s32 $0xFFFFE000  }
0x103: {  	[tilespmem:s21], [sflag:$0x2] =	stream.linear.gather [spmem:s30], $0x80, $0x38;
	[tilespmem:$0x1CC80] =	vst v63  }
0x104: {  	_ =	swait.ge [sflag:s18], $0x80  }
0x105: {  	[sflag:s18] =	ssyncset.done $0x0  }
0x106: {  	s0 =	sadd.s32 $0x2A780, s28;
	[sflag:s18] =	ssyncadd.s32 $0xFFFFFF80  }
0x107: {  	[tilespmem:s11], [sflag:$0x2] =	stream.linear.gather [spmem:s0], $0x80, $0x38;
	[tilespmem:$0x1CC80] =	vst v63  }
0x108: {  	_ =	swait.ge [sflag:s18], $0x80  }
0x109: {  	[sflag:s18] =	ssyncset.done $0x0  }
0x10a: {  	[sflag:s18] =	ssyncadd.s32 $0xFFFFFF80  }
0x10b: {  	[tilespmem:s23], [sflag:$0x1] =	stream.indirect.gather [spmem:s2], $0x40, s21, s21, $0xb8;
	[tilespmem:$0x1CC80] =	vst v63  }
0x10c: {  	_ = 	snop  }
0x10d: {  	[spmem:s1] =	stream.indirect.scatter.add.f32 [tilespmem:s19], [sflag:$0x2], $0x40, s10, s21, $0xb8;
	[tilespmem:$0x1CC80] =	vst v63  }
0x10e: {  	_ =	swait.ge [sflag:s18], $0x2000  }
0x10f: {  	[sflag:s18] =	ssyncset.done $0x0  }
0x110: {  	[sflag:s18] =	ssyncadd.s32 $0xFFFFE000  }
0x111: {  	_ =	swait.ge [sflag:s22], $0x2000  }
0x112: {  	[sflag:s22] =	ssyncset.done $0x0  }
0x113: {  	s30 =	sadd.s32 $0x2800, s28;
	[sflag:s22] =	ssyncadd.s32 $0xFFFFE000  }
0x114: {  	[tilespmem:s4], [sflag:$0x2] =	stream.linear.gather [spmem:s30], $0x80, $0x38;
	[tilespmem:$0x1CC80] =	vst v63  }
0x115: {  	_ =	swait.ge [sflag:s18], $0x80  }
0x116: {  	[sflag:s18] =	ssyncset.done $0x0  }
0x117: {  	s28 =	sadd.s32 $0x2A800, s28;
	[sflag:s18] =	ssyncadd.s32 $0xFFFFFF80  }
0x118: {  	[tilespmem:s10], [sflag:$0x2] =	stream.linear.gather [spmem:s28], $0x80, $0x38;
	[tilespmem:$0x1CC80] =	vst v63  }
0x119: {  	_ =	swait.ge [sflag:s18], $0x80  }
0x11a: {  	[sflag:s18] =	ssyncset.done $0x0  }
0x11b: {  	[sflag:s18] =	ssyncadd.s32 $0xFFFFFF80  }
0x11c: {  	[tilespmem:s19], [sflag:$0x1] =	stream.indirect.gather [spmem:s2], $0x40, s4, s21, $0xb8;
	[tilespmem:$0x1CC80] =	vst v63  }
0x11d: {  	_ = 	snop  }
0x11e: {  	[spmem:s1] =	stream.indirect.scatter.add.f32 [tilespmem:s23], [sflag:$0x2], $0x40, s11, s21, $0xb8;
	[tilespmem:$0x1CC80] =	vst v63  }
0x11f: {  	_ =	swait.ge [sflag:s18], $0x2000  }
0x120: {  	s28 =	simm.s32 $0xFFFF6800;
	[sflag:s18] =	ssyncset.done $0x0  }
.LBB2_6:
0x121: {  	p2 =	sne.s32 s28, $0xFFFFFC00  }
0x122: {  	[sflag:s18] =	ssyncadd.s32 $0xFFFFE000;
	s29 =	smov.u32 s28;
	s28 =	sadd.s32 $0x400, s28  }
0x123: {  	_ =	swait.ge [sflag:s22], $0x2000  }
0x124: {  	s29 =	sshra.s32 s29, $0x2;
	[sflag:s22] =	ssyncset.done $0x0  }
0x125: {  	s29 =	sadd.s32 s29, s9;
	[sflag:s22] =	ssyncadd.s32 $0xFFFFE000  }
0x126: {  	s30 =	sadd.s32 $0x2780, s29  }
0x127: {  	[tilespmem:s21], [sflag:$0x2] =	stream.linear.gather [spmem:s30], $0x80, $0x38;
	[tilespmem:$0x1CC80] =	vst v63  }
0x128: {  	_ =	swait.ge [sflag:s18], $0x80  }
0x129: {  	[sflag:s18] =	ssyncset.done $0x0  }
0x12a: {  	s30 =	sadd.s32 $0x2A780, s29;
	[sflag:s18] =	ssyncadd.s32 $0xFFFFFF80  }
0x12b: {  	[tilespmem:s11], [sflag:$0x2] =	stream.linear.gather [spmem:s30], $0x80, $0x38;
	[tilespmem:$0x1CC80] =	vst v63  }
0x12c: {  	_ =	swait.ge [sflag:s18], $0x80  }
0x12d: {  	[sflag:s18] =	ssyncset.done $0x0  }
0x12e: {  	[sflag:s18] =	ssyncadd.s32 $0xFFFFFF80  }
0x12f: {  	[tilespmem:s23], [sflag:$0x1] =	stream.indirect.gather [spmem:s2], $0x40, s21, s21, $0xb8;
	[tilespmem:$0x1CC80] =	vst v63  }
0x130: {  	_ = 	snop  }
0x131: {  	[spmem:s1] =	stream.indirect.scatter.add.f32 [tilespmem:s19], [sflag:$0x2], $0x40, s10, s21, $0xb8;
	[tilespmem:$0x1CC80] =	vst v63  }
0x132: {  	_ =	swait.ge [sflag:s18], $0x2000  }
0x133: {  	[sflag:s18] =	ssyncset.done $0x0  }
0x134: {  	[sflag:s18] =	ssyncadd.s32 $0xFFFFE000  }
0x135: {  	_ =	swait.ge [sflag:s22], $0x2000  }
0x136: {  	[sflag:s22] =	ssyncset.done $0x0  }
0x137: {  	s30 =	sadd.s32 $0x2800, s29;
	[sflag:s22] =	ssyncadd.s32 $0xFFFFE000  }
0x138: {  	[tilespmem:s4], [sflag:$0x2] =	stream.linear.gather [spmem:s30], $0x80, $0x38;
	[tilespmem:$0x1CC80] =	vst v63  }
0x139: {  	_ =	swait.ge [sflag:s18], $0x80  }
0x13a: {  	[sflag:s18] =	ssyncset.done $0x0  }
0x13b: {  	s29 =	sadd.s32 $0x2A800, s29;
	[sflag:s18] =	ssyncadd.s32 $0xFFFFFF80  }
0x13c: {  	[tilespmem:s10], [sflag:$0x2] =	stream.linear.gather [spmem:s29], $0x80, $0x38;
	[tilespmem:$0x1CC80] =	vst v63  }
0x13d: {  	_ =	swait.ge [sflag:s18], $0x80  }
0x13e: {  	[sflag:s18] =	ssyncset.done $0x0  }
0x13f: {  	[sflag:s18] =	ssyncadd.s32 $0xFFFFFF80  }
0x140: {  	[tilespmem:s19], [sflag:$0x1] =	stream.indirect.gather [spmem:s2], $0x40, s4, s21, $0xb8;
	[tilespmem:$0x1CC80] =	vst v63  }
.Ltmp2:
0x141: {  	_ = 	snop;
	(pc) =	sbr.rel @p2 .LBB2_6-.Ltmp2, $4  }
0x142: {  	_ = 	snop  }
0x143: {  	[spmem:s1] =	stream.indirect.scatter.add.f32 [tilespmem:s23], [sflag:$0x2], $0x40, s11, s21, $0xb8;
	[tilespmem:$0x1CC80] =	vst v63  }
0x144: {  	_ =	swait.ge [sflag:s18], $0x2000  }
0x145: {  	[sflag:s18] =	ssyncset.done $0x0  }
0x146: {  	[sflag:s18] =	ssyncadd.s32 $0xFFFFE000  }
0x147: {  	_ =	swait.ge [sflag:s22], $0x2000  }
0x148: {  	[sflag:s22] =	ssyncset.done $0x0  }
0x149: {  	[sflag:s22] =	ssyncadd.s32 $0xFFFFE000  }
0x14a: {  	[tilespmem:s21], [sflag:$0x2] =	stream.linear.gather [spmem:s16], $0x80, $0x38;
	[tilespmem:$0x1CC80] =	vst v63  }
0x14b: {  	_ =	swait.ge [sflag:s18], $0x80  }
0x14c: {  	[sflag:s18] =	ssyncset.done $0x0  }
0x14d: {  	[sflag:s18] =	ssyncadd.s32 $0xFFFFFF80  }
0x14e: {  	[tilespmem:s11], [sflag:$0x2] =	stream.linear.gather [spmem:s17], $0x80, $0x38;
	[tilespmem:$0x1CC80] =	vst v63  }
0x14f: {  	_ =	swait.ge [sflag:s18], $0x80  }
0x150: {  	[sflag:s18] =	ssyncset.done $0x0  }
0x151: {  	[sflag:s18] =	ssyncadd.s32 $0xFFFFFF80  }
0x152: {  	[tilespmem:s23], [sflag:$0x1] =	stream.indirect.gather [spmem:s2], $0x40, s21, s21, $0xb8;
	[tilespmem:$0x1CC80] =	vst v63  }
0x153: {  	_ = 	snop  }
0x154: {  	[spmem:s1] =	stream.indirect.scatter.add.f32 [tilespmem:s19], [sflag:$0x2], $0x40, s10, s21, $0xb8;
	[tilespmem:$0x1CC80] =	vst v63  }
0x155: {  	_ =	swait.ge [sflag:s18], $0x2000  }
0x156: {  	[sflag:s18] =	ssyncset.done $0x0  }
0x157: {  	[sflag:s18] =	ssyncadd.s32 $0xFFFFE000  }
0x158: {  	_ =	swait.ge [sflag:s22], $0x2000  }
0x159: {  	[sflag:s22] =	ssyncset.done $0x0  }
0x15a: {  	[sflag:s22] =	ssyncadd.s32 $0xFFFFE000  }
0x15b: {  	[spmem:s1] =	stream.indirect.scatter.add.f32 [tilespmem:s23], [sflag:$0x2], $0x40, s11, s21, $0xb8;
	[tilespmem:$0x1CC80] =	vst v63  }
0x15c: {  	_ =	swait.ge [sflag:s18], $0x2000  }
0x15d: {  	[sflag:s18] =	ssyncset.done $0x0  }
0x15e: {  	[sflag:s18] =	ssyncadd.s32 $0xFFFFE000  }
0x15f: {  	[bflag:$0x0] =	sbarrier.arrive $0xFFFF  }
0x160: {  	s28 =	rddreg [dreg:$0xc]  }
0x161: {  	s0 =	rddreg [dreg:$0x1c]  }
0x162: {  	[hbm:s28@s24], [sflag:s6] =	dma.strided [spmem:s0@s25], $0x400, s22, $0x8   }
0x163: {  	_ =	swait.ge [sflag:s18], $0x400  }
0x164: {  	[sflag:s18] =	ssyncset.done $0x0;
	s29 =	rddreg [dreg:$0xd]  }
0x165: {  	s30 =	rddreg [dreg:$0x1d];
	[sflag:s18] =	ssyncadd.s32 $0xFFFFFC00  }
0x166: {  	[hbm:s29@s24], [sflag:s6] =	dma.strided [spmem:s30@s25], $0x400, s22, $0x8   }
0x167: {  	_ =	swait.ge [sflag:s18], $0x400  }
0x168: {  	[sflag:s18] =	ssyncset.done $0x0;
	s29 =	rddreg [dreg:$0xe]  }
0x169: {  	s30 =	rddreg [dreg:$0x1e];
	[sflag:s18] =	ssyncadd.s32 $0xFFFFFC00  }
0x16a: {  	[hbm:s29@s24], [sflag:s6] =	dma.strided [spmem:s30@s25], $0x400, s22, $0x8   }
0x16b: {  	_ =	swait.ge [sflag:s18], $0x400  }
0x16c: {  	[sflag:s18] =	ssyncset.done $0x0  }
0x16d: {  	s0 =	rddreg [dreg:$0xf];
	[sflag:s18] =	ssyncadd.s32 $0xFFFFFC00  }
0x16e: {  	[hbm:s0@s24], [sflag:s6] =	dma.strided [spmem:s3@s25], $0x400, s22, $0x8   }
0x16f: {  	_ =	swait.ge [sflag:s18], $0x400  }
0x170: {  	[sflag:s18] =	ssyncset.done $0x0  }
0x171: {  	s29 =	rddreg [dreg:$0x10];
	[sflag:s18] =	ssyncadd.s32 $0xFFFFFC00  }
0x172: {  	[hbm:s29@s24], [sflag:s6] =	dma.strided [spmem:s5@s25], $0x380, s22, $0x8   }
0x173: {  	_ =	swait.ge [sflag:s18], $0x380  }
0x174: {  	s28 =	simm.s32 @!p0 $0x1;
	s30 =	simm.s32 @!p0 $0x8;
	[sflag:s18] =	ssyncset.done $0x0  }
0x175: {  	s29 =	simm.s32 @!p0 $0x10;
	s0 =	rddreg [dreg:$0x16];
	[sflag:s18] =	ssyncadd.s32 $0xFFFFFC80  }
0x176: {  	[hbm:s0@s29], [sflag:s6] =	dma.strided @!p0 [spmem:s7@s30], $0x80, s28, $0x8   }
0x177: {  	s6 =	simm.s32 @!p0 $0x2  }
0x178: {  	_ =	swait.ge @!p0 [sflag:s6], $0x80  }
0x179: {  	s26 =	sadd.s32 $0x1, s26;
	s30 =	rddreg [dreg:$0x17]  }
0x17a: {  	p2 =	sne.s32 s26, s30  }
.Ltmp3:
0x17b: {  	_ = 	snop;
	(pc) =	sbr.rel @p2 .LBB2_1-.Ltmp3, $3  }
0x17c: {  	_ =	sdelay $0x1  }
0x17d: {  	[sflag:s6] =	ssyncset.done @!p0 $0x0  }
0x17e: {  	[sflag:s6] =	ssyncadd.s32 @!p0 $0xFFFFFF80  }
0x17f: {  	_ =	sfence.sel $0x180000  }
0x180: {  	[bflag:$0x0] =	sbarrier.arrive $0xFFFF  }
0x181: {  	_ =	strace $0x90000047  }
0x182: {  	s0 =	stileid.u32;
	[bflag:$0x2] =	sbarrier.arrive $0xFFFF  }
0x183: {  	p0 =	sne.s32 s0, $0x0;
	s0 =	rddreg [dreg:$0x6]  }
0x184: {  	s0 =	sadd.s32 @!p0 $0x100000, s0  }
0x185: {  	[sflag:s0] =	ssyncadd.tile.s32 @!p0 $0x1;
	_ =	shalt  }
.Lfunc_end2:
_tile_overlayer_lowered:
.L_overlay_start_2:
0x186: {  	(tag) =	ssettag $0x2  }
0x187: {  	s0 =	rddreg [dreg:$0x0];
	s2 =	stileid.u32  }
0x188: {  	s1 =	rddreg [dreg:$0x1];
	p0 =	sne.s32 s2, $0x0  }
0x189: {  	s3 =	rddreg [dreg:$0x2];
	[bflag:$0x3] =	sbarrier.arrive $0xFFFF;
	s2 =	simm.s32 @!p0 $0x1C02  }
0x18a: {  	[timem:s3], [sflag:s2] =	dma.local @!p0 [hbm:s0], s1  }
0x18b: {  	s0 =	simm.s32 @!p0 $0x2  }
0x18c: {  	_ =	swait.ge @!p0 [sflag:s0], s1  }
0x18d: {  	s1 =	ssub.s32 @!p0 $0x0, s1;
	[sflag:s0] =	ssyncset.done @!p0 $0x0  }
0x18e: {  	[sflag:s0] =	ssyncadd.s32 @!p0 s1  }
0x18f: {  	[bflag:$0x3] =	sbarrier.arrive $0xFFFF  }
0x190: {  	_ =	shalt  }

</sc_bundles>
